<compile_context>
chip_gen: v7x
topology: tpu7x:2x2x1
jax: 0.10.2.dev20260603
libtpu: 0.0.44.dev20260713+nightly
codegen_flags: <defaults>
</compile_context>

<pallas_src>
import functools

import jax
import jax.numpy as jnp
from jax import lax
from jax.experimental import pallas as pl
from jax.experimental.pallas import tpu as pltpu
from jax.experimental.pallas import tpu_sc as plsc

D_MODEL = 64
NUM_WORKERS = 32
CHUNK = 512
SUB = 128
N_SUB = CHUNK // SUB


def _make_sc_gather(B):
    b_per_w = B // NUM_WORKERS
    n_chunks = b_per_w // CHUNK
    assert n_chunks % 2 == 0 and n_chunks >= 4
    mesh = plsc.VectorSubcoreMesh(core_axis_name="c", subcore_axis_name="s")

    @functools.partial(
        pl.kernel,
        mesh=mesh,
        out_type=jax.ShapeDtypeStruct((B, D_MODEL), jnp.float32),
        compiler_params=pltpu.CompilerParams(
            use_tc_tiling_on_sc=False, skip_device_barrier=True
        ),
        scratch_types=[
            pltpu.VMEM((2, N_SUB, SUB), jnp.int32),
            pltpu.VMEM((2, CHUNK, D_MODEL), jnp.float32),
            pltpu.SemaphoreType.DMA,
            pltpu.SemaphoreType.DMA,
            pltpu.SemaphoreType.DMA,
            pltpu.SemaphoreType.DMA,
        ],
    )
    def sc_gather(idx_hbm, table_hbm, out_hbm, idx_v, rows_v,
                  gsem0, gsem1, wsem0, wsem1):
        gsems = (gsem0, gsem1)
        wsems = (wsem0, wsem1)
        wid = lax.axis_index("s") * 2 + lax.axis_index("c")
        base = wid * b_per_w

        def load_and_fire(i, b):
            row = (base + i * CHUNK) // SUB
            pltpu.sync_copy(idx_hbm.at[pl.ds(row, N_SUB)], idx_v.at[b])
            for j in range(N_SUB):
                pltpu.async_copy(
                    table_hbm.at[idx_v.at[b, j]],
                    rows_v.at[b, pl.ds(j * SUB, SUB)],
                    gsems[b],
                )

        def wait_gathers(b):
            for j in range(N_SUB):
                pltpu.make_async_copy(
                    table_hbm.at[idx_v.at[b, j]],
                    rows_v.at[b, pl.ds(j * SUB, SUB)],
                    gsems[b],
                ).wait()

        def fire_write(i, b):
            pltpu.async_copy(
                rows_v.at[b],
                out_hbm.at[pl.ds(base + i * CHUNK, CHUNK)],
                wsems[b],
            )

        def wait_write(b):
            pltpu.make_async_copy(
                rows_v.at[b],
                out_hbm.at[pl.ds(base, CHUNK)],
                wsems[b],
            ).wait()


        load_and_fire(0, 0)
        load_and_fire(1, 1)
        wait_gathers(0)
        fire_write(0, 0)

        def outer(o, _):
            for b, di in ((1, 1), (0, 2)):
                i = 2 * o + di
                nb = 1 - b
                wait_write(nb)
                load_and_fire(i + 1, nb)
                wait_gathers(b)
                fire_write(i, b)
            return 0

        lax.fori_loop(0, (n_chunks - 2) // 2, outer, 0)

        wait_gathers(1)
        fire_write(n_chunks - 1, 1)
        wait_write(0)
        wait_write(1)

    return sc_gather


def kernel(x, table):
    NB, S = x.shape
    B = NB * S
    idx2d = x.T.astype(jnp.int32).reshape(B // SUB, SUB)
    out = _make_sc_gather(B)(idx2d, table)
    return out.reshape(S, NB, D_MODEL).transpose(1, 0, 2)

# --- scband reference (transcript-rebuilt; emitter-appended) ---
"""Pipeline reference for scband-embedder-22076131902086 (READ-ONLY COPY).

The authoritative reference and input builder live on the scoring server;
editing this copy changes nothing except your own understanding.
"""

import jax, jax.numpy as jnp
import numpy as np

VOCAB = 1000000
D_MODEL = 64

def setup_inputs(seed: int = 0) -> dict:
    key = jax.random.key(seed)
    k1, k2 = jax.random.split(key)
    x = jax.random.randint(k1, (4096, 200), 0, VOCAB, dtype=jnp.int64 if jax.config.jax_enable_x64 else jnp.int32)
    table = jax.random.normal(k2, (VOCAB, D_MODEL), dtype=jnp.float32)
    return {"x": x, "table": table}

def reference(x, table):
    # nn.Embedding forward: gather rows of the embedding table
    return jnp.take(table, x, axis=0)

if __name__ == "__main__":
    import jax
    _d = setup_inputs()
    print(jax.jit(kernel)(*tuple(_d.values())))

</pallas_src>

<mosaic_0001>
#map = affine_map<(d0, d1) -> (0, 0)>
module attributes {stable_mosaic.version = 14 : i64} {
  func.func @sc_gather(%arg0: i32, %arg1: i32, %arg2: memref<6400x128xi32, #tpu.memory_space<hbm>>, %arg3: memref<1000000x64xf32, #tpu.memory_space<hbm>>, %arg4: memref<819200x64xf32, #tpu.memory_space<hbm>>, %arg5: memref<2x4x128xi32, #tpu.memory_space<vmem>>, %arg6: memref<2x512x64xf32, #tpu.memory_space<vmem>>, %arg7: memref<!tpu.dma_semaphore, #tpu.memory_space<semaphore_mem>>, %arg8: memref<!tpu.dma_semaphore, #tpu.memory_space<semaphore_mem>>, %arg9: memref<!tpu.dma_semaphore, #tpu.memory_space<semaphore_mem>>, %arg10: memref<!tpu.dma_semaphore, #tpu.memory_space<semaphore_mem>>) attributes {dimension_semantics = [#tpu.dimension_semantics<core_parallel>, #tpu.dimension_semantics<subcore_parallel>], iteration_bounds = array<i64: 2, 16>, scalar_prefetch = 0 : i64, scratch_operands = 6 : i64, tpu.core_type = #tpu.core_type<sc_vector_subcore>, window_params = [{transform_indices = #map}, {transform_indices = #map}, {transform_indices = #map}]} {
    %mul3A = arith.constant 2 : i32
    %mul3A_0 = arith.muli %arg1, %mul3A : i32
    %add3A = arith.addi %mul3A_0, %arg0 : i32
    %mul3A_1 = arith.constant 25600 : i32
    %mul3A_2 = arith.muli %add3A, %mul3A_1 : i32
    %add3A_3 = arith.constant 0 : i32
    %add3A_4 = arith.addi %mul3A_2, %add3A_3 : i32
    %jit3A = arith.constant 128 : i32
    %div3A = arith.divsi %add3A_4, %jit3A : i32
    %sign3A = arith.constant 0 : i32
    %sign3A_5 = arith.cmpi sgt, %add3A_4, %sign3A : i32
    %sign3A_6 = arith.extui %sign3A_5 : i1 to i32
    %sign3A_7 = arith.constant 0 : i32
    %sign3A_8 = arith.cmpi slt, %add3A_4, %sign3A_7 : i32
    %sign3A_9 = arith.extui %sign3A_8 : i1 to i32
    %sign3A_10 = arith.subi %sign3A_6, %sign3A_9 : i32
    %sign3A_11 = arith.constant 0 : i32
    %sign3A_12 = arith.cmpi sgt, %jit3A, %sign3A_11 : i32
    %sign3A_13 = arith.extui %sign3A_12 : i1 to i32
    %sign3A_14 = arith.constant 0 : i32
    %sign3A_15 = arith.cmpi slt, %jit3A, %sign3A_14 : i32
    %sign3A_16 = arith.extui %sign3A_15 : i1 to i32
    %sign3A_17 = arith.subi %sign3A_13, %sign3A_16 : i32
    %ne3A = arith.cmpi ne, %sign3A_10, %sign3A_17 : i32
    %rem3A = arith.remsi %add3A_4, %jit3A : i32
    %ne3A_18 = arith.constant 0 : i32
    %ne3A_19 = arith.cmpi ne, %rem3A, %ne3A_18 : i32
    %and3A = arith.andi %ne3A, %ne3A_19 : i1
    %sub3A = arith.constant 1 : i32
    %sub3A_20 = arith.subi %div3A, %sub3A : i32
    %select_n3A = arith.select %and3A, %sub3A_20, %div3A : i32
    %run_scoped3A = arith.constant 0 : i32
    "tpu.region"() ({
      %run_scoped3A_316 = tpu.sem_alloc : memref<!tpu.dma_semaphore, #tpu.memory_space<semaphore_mem>>
      %dma_start3A_317 = arith.constant 0 : i32
      %dma_start3A_318 = arith.constant 0 : i32
      %dma_start3A_319 = tpu.memref_slice %arg5[%run_scoped3A, %dma_start3A_317, %dma_start3A_318] : memref<2x4x128xi32, #tpu.memory_space<vmem>> -> memref<1x4x128xi32, #tpu.memory_space<vmem>>
      %dma_start3A_320 = tpu.memref_squeeze %dma_start3A_319 : memref<1x4x128xi32, #tpu.memory_space<vmem>> -> memref<4x128xi32, #tpu.memory_space<vmem>>
      %dma_start3A_321 = arith.constant 0 : i32
      %dma_start3A_322 = tpu.memref_slice %arg2[%select_n3A, %dma_start3A_321] : memref<6400x128xi32, #tpu.memory_space<hbm>> -> memref<4x128xi32, #tpu.memory_space<hbm>>
      %dma_start3A_323 = arith.constant 0 : i32
      %dma_start3A_324 = arith.constant 0 : i32
      %dma_start3A_325 = tpu.memref_slice %arg5[%run_scoped3A, %dma_start3A_323, %dma_start3A_324] : memref<2x4x128xi32, #tpu.memory_space<vmem>> -> memref<1x4x128xi32, #tpu.memory_space<vmem>>
      %dma_start3A_326 = tpu.memref_squeeze %dma_start3A_325 : memref<1x4x128xi32, #tpu.memory_space<vmem>> -> memref<4x128xi32, #tpu.memory_space<vmem>>
      %dma_start3A_327 = arith.constant 0 : i32
      %dma_start3A_328 = tpu.memref_slice %arg2[%select_n3A, %dma_start3A_327] : memref<6400x128xi32, #tpu.memory_space<hbm>> -> memref<4x128xi32, #tpu.memory_space<hbm>>
      tpu.enqueue_dma source(%dma_start3A_328 : memref<4x128xi32, #tpu.memory_space<hbm>>) target(%dma_start3A_326 : memref<4x128xi32, #tpu.memory_space<vmem>>) target_semaphore(%run_scoped3A_316 : memref<!tpu.dma_semaphore, #tpu.memory_space<semaphore_mem>>)
      %dma_wait3A_329 = arith.constant 0 : i32
      %dma_wait3A_330 = arith.constant 0 : i32
      %dma_wait3A_331 = tpu.memref_slice %arg5[%run_scoped3A, %dma_wait3A_329, %dma_wait3A_330] : memref<2x4x128xi32, #tpu.memory_space<vmem>> -> memref<1x4x128xi32, #tpu.memory_space<vmem>>
      %dma_wait3A_332 = tpu.memref_squeeze %dma_wait3A_331 : memref<1x4x128xi32, #tpu.memory_space<vmem>> -> memref<4x128xi32, #tpu.memory_space<vmem>>
      %dma_wait3A_333 = arith.constant 0 : i32
      %dma_wait3A_334 = tpu.memref_slice %arg2[%select_n3A, %dma_wait3A_333] : memref<6400x128xi32, #tpu.memory_space<hbm>> -> memref<4x128xi32, #tpu.memory_space<hbm>>
      %dma_wait3A_335 = arith.constant 0 : i32
      %dma_wait3A_336 = arith.constant 0 : i32
      %dma_wait3A_337 = tpu.memref_slice %arg5[%run_scoped3A, %dma_wait3A_335, %dma_wait3A_336] : memref<2x4x128xi32, #tpu.memory_space<vmem>> -> memref<1x4x128xi32, #tpu.memory_space<vmem>>
      %dma_wait3A_338 = tpu.memref_squeeze %dma_wait3A_337 : memref<1x4x128xi32, #tpu.memory_space<vmem>> -> memref<4x128xi32, #tpu.memory_space<vmem>>
      %dma_wait3A_339 = arith.constant 0 : i32
      %dma_wait3A_340 = tpu.memref_slice %arg2[%select_n3A, %dma_wait3A_339] : memref<6400x128xi32, #tpu.memory_space<hbm>> -> memref<4x128xi32, #tpu.memory_space<hbm>>
      tpu.wait_dma2 semaphore(%run_scoped3A_316 : memref<!tpu.dma_semaphore, #tpu.memory_space<semaphore_mem>>) src(%dma_wait3A_340 : memref<4x128xi32, #tpu.memory_space<hbm>>) dst(%dma_wait3A_338 : memref<4x128xi32, #tpu.memory_space<vmem>>)
      tpu.yield
    }) : () -> ()
    %dma_start3A = arith.constant 0 : i32
    %dma_start3A_21 = arith.constant 0 : i32
    %dma_start3A_22 = arith.constant 0 : i32
    %dma_start3A_23 = arith.constant 0 : i32
    %dma_start3A_24 = arith.constant 0 : i32
    %dma_start3A_25 = tpu.memref_slice %arg6[%dma_start3A_22, %dma_start3A_23, %dma_start3A_24] : memref<2x512x64xf32, #tpu.memory_space<vmem>> -> memref<1x128x64xf32, #tpu.memory_space<vmem>>
    %dma_start3A_26 = tpu.memref_squeeze %dma_start3A_25 : memref<1x128x64xf32, #tpu.memory_space<vmem>> -> memref<128x64xf32, #tpu.memory_space<vmem>>
    %dma_start3A_27 = arith.constant 0 : i32
    %dma_start3A_28 = tpu.memref_slice %arg5[%dma_start3A, %dma_start3A_21, %dma_start3A_27] : memref<2x4x128xi32, #tpu.memory_space<vmem>> -> memref<1x1x128xi32, #tpu.memory_space<vmem>>
    %dma_start3A_29 = tpu.memref_squeeze %dma_start3A_28 : memref<1x1x128xi32, #tpu.memory_space<vmem>> -> memref<128xi32, #tpu.memory_space<vmem>>
    %dma_start3A_30 = arith.constant 0 : i32
    %dma_start3A_31 = arith.constant 0 : i32
    %dma_start3A_32 = tpu.memref_slice %arg3[%dma_start3A_30, %dma_start3A_31] : memref<1000000x64xf32, #tpu.memory_space<hbm>> -> memref<1000000x64xf32, #tpu.memory_space<hbm>>
    tpu.enqueue_indirect_dma source(%dma_start3A_32 : memref<1000000x64xf32, #tpu.memory_space<hbm>>) target(%dma_start3A_26 : memref<128x64xf32, #tpu.memory_space<vmem>>) offsets(%dma_start3A_29 : memref<128xi32, #tpu.memory_space<vmem>>) semaphore(%arg7 : memref<!tpu.dma_semaphore, #tpu.memory_space<semaphore_mem>>)
    %dma_start3A_33 = arith.constant 0 : i32
    %dma_start3A_34 = arith.constant 1 : i32
    %dma_start3A_35 = arith.constant 0 : i32
    %dma_start3A_36 = arith.constant 128 : i32
    %dma_start3A_37 = arith.constant 0 : i32
    %dma_start3A_38 = tpu.memref_slice %arg6[%dma_start3A_35, %dma_start3A_36, %dma_start3A_37] : memref<2x512x64xf32, #tpu.memory_space<vmem>> -> memref<1x128x64xf32, #tpu.memory_space<vmem>>
    %dma_start3A_39 = tpu.memref_squeeze %dma_start3A_38 : memref<1x128x64xf32, #tpu.memory_space<vmem>> -> memref<128x64xf32, #tpu.memory_space<vmem>>
    %dma_start3A_40 = arith.constant 0 : i32
    %dma_start3A_41 = tpu.memref_slice %arg5[%dma_start3A_33, %dma_start3A_34, %dma_start3A_40] : memref<2x4x128xi32, #tpu.memory_space<vmem>> -> memref<1x1x128xi32, #tpu.memory_space<vmem>>
    %dma_start3A_42 = tpu.memref_squeeze %dma_start3A_41 : memref<1x1x128xi32, #tpu.memory_space<vmem>> -> memref<128xi32, #tpu.memory_space<vmem>>
    %dma_start3A_43 = arith.constant 0 : i32
    %dma_start3A_44 = arith.constant 0 : i32
    %dma_start3A_45 = tpu.memref_slice %arg3[%dma_start3A_43, %dma_start3A_44] : memref<1000000x64xf32, #tpu.memory_space<hbm>> -> memref<1000000x64xf32, #tpu.memory_space<hbm>>
    tpu.enqueue_indirect_dma source(%dma_start3A_45 : memref<1000000x64xf32, #tpu.memory_space<hbm>>) target(%dma_start3A_39 : memref<128x64xf32, #tpu.memory_space<vmem>>) offsets(%dma_start3A_42 : memref<128xi32, #tpu.memory_space<vmem>>) semaphore(%arg7 : memref<!tpu.dma_semaphore, #tpu.memory_space<semaphore_mem>>)
    %dma_start3A_46 = arith.constant 0 : i32
    %dma_start3A_47 = arith.constant 2 : i32
    %dma_start3A_48 = arith.constant 0 : i32
    %dma_start3A_49 = arith.constant 256 : i32
    %dma_start3A_50 = arith.constant 0 : i32
    %dma_start3A_51 = tpu.memref_slice %arg6[%dma_start3A_48, %dma_start3A_49, %dma_start3A_50] : memref<2x512x64xf32, #tpu.memory_space<vmem>> -> memref<1x128x64xf32, #tpu.memory_space<vmem>>
    %dma_start3A_52 = tpu.memref_squeeze %dma_start3A_51 : memref<1x128x64xf32, #tpu.memory_space<vmem>> -> memref<128x64xf32, #tpu.memory_space<vmem>>
    %dma_start3A_53 = arith.constant 0 : i32
    %dma_start3A_54 = tpu.memref_slice %arg5[%dma_start3A_46, %dma_start3A_47, %dma_start3A_53] : memref<2x4x128xi32, #tpu.memory_space<vmem>> -> memref<1x1x128xi32, #tpu.memory_space<vmem>>
    %dma_start3A_55 = tpu.memref_squeeze %dma_start3A_54 : memref<1x1x128xi32, #tpu.memory_space<vmem>> -> memref<128xi32, #tpu.memory_space<vmem>>
    %dma_start3A_56 = arith.constant 0 : i32
    %dma_start3A_57 = arith.constant 0 : i32
    %dma_start3A_58 = tpu.memref_slice %arg3[%dma_start3A_56, %dma_start3A_57] : memref<1000000x64xf32, #tpu.memory_space<hbm>> -> memref<1000000x64xf32, #tpu.memory_space<hbm>>
    tpu.enqueue_indirect_dma source(%dma_start3A_58 : memref<1000000x64xf32, #tpu.memory_space<hbm>>) target(%dma_start3A_52 : memref<128x64xf32, #tpu.memory_space<vmem>>) offsets(%dma_start3A_55 : memref<128xi32, #tpu.memory_space<vmem>>) semaphore(%arg7 : memref<!tpu.dma_semaphore, #tpu.memory_space<semaphore_mem>>)
    %dma_start3A_59 = arith.constant 0 : i32
    %dma_start3A_60 = arith.constant 3 : i32
    %dma_start3A_61 = arith.constant 0 : i32
    %dma_start3A_62 = arith.constant 384 : i32
    %dma_start3A_63 = arith.constant 0 : i32
    %dma_start3A_64 = tpu.memref_slice %arg6[%dma_start3A_61, %dma_start3A_62, %dma_start3A_63] : memref<2x512x64xf32, #tpu.memory_space<vmem>> -> memref<1x128x64xf32, #tpu.memory_space<vmem>>
    %dma_start3A_65 = tpu.memref_squeeze %dma_start3A_64 : memref<1x128x64xf32, #tpu.memory_space<vmem>> -> memref<128x64xf32, #tpu.memory_space<vmem>>
    %dma_start3A_66 = arith.constant 0 : i32
    %dma_start3A_67 = tpu.memref_slice %arg5[%dma_start3A_59, %dma_start3A_60, %dma_start3A_66] : memref<2x4x128xi32, #tpu.memory_space<vmem>> -> memref<1x1x128xi32, #tpu.memory_space<vmem>>
    %dma_start3A_68 = tpu.memref_squeeze %dma_start3A_67 : memref<1x1x128xi32, #tpu.memory_space<vmem>> -> memref<128xi32, #tpu.memory_space<vmem>>
    %dma_start3A_69 = arith.constant 0 : i32
    %dma_start3A_70 = arith.constant 0 : i32
    %dma_start3A_71 = tpu.memref_slice %arg3[%dma_start3A_69, %dma_start3A_70] : memref<1000000x64xf32, #tpu.memory_space<hbm>> -> memref<1000000x64xf32, #tpu.memory_space<hbm>>
    tpu.enqueue_indirect_dma source(%dma_start3A_71 : memref<1000000x64xf32, #tpu.memory_space<hbm>>) target(%dma_start3A_65 : memref<128x64xf32, #tpu.memory_space<vmem>>) offsets(%dma_start3A_68 : memref<128xi32, #tpu.memory_space<vmem>>) semaphore(%arg7 : memref<!tpu.dma_semaphore, #tpu.memory_space<semaphore_mem>>)
    %add3A_72 = arith.constant 512 : i32
    %add3A_73 = arith.addi %mul3A_2, %add3A_72 : i32
    %jit3A_74 = arith.constant 128 : i32
    %div3A_75 = arith.divsi %add3A_73, %jit3A_74 : i32
    %sign3A_76 = arith.constant 0 : i32
    %sign3A_77 = arith.cmpi sgt, %add3A_73, %sign3A_76 : i32
    %sign3A_78 = arith.extui %sign3A_77 : i1 to i32
    %sign3A_79 = arith.constant 0 : i32
    %sign3A_80 = arith.cmpi slt, %add3A_73, %sign3A_79 : i32
    %sign3A_81 = arith.extui %sign3A_80 : i1 to i32
    %sign3A_82 = arith.subi %sign3A_78, %sign3A_81 : i32
    %sign3A_83 = arith.constant 0 : i32
    %sign3A_84 = arith.cmpi sgt, %jit3A_74, %sign3A_83 : i32
    %sign3A_85 = arith.extui %sign3A_84 : i1 to i32
    %sign3A_86 = arith.constant 0 : i32
    %sign3A_87 = arith.cmpi slt, %jit3A_74, %sign3A_86 : i32
    %sign3A_88 = arith.extui %sign3A_87 : i1 to i32
    %sign3A_89 = arith.subi %sign3A_85, %sign3A_88 : i32
    %ne3A_90 = arith.cmpi ne, %sign3A_82, %sign3A_89 : i32
    %rem3A_91 = arith.remsi %add3A_73, %jit3A_74 : i32
    %ne3A_92 = arith.constant 0 : i32
    %ne3A_93 = arith.cmpi ne, %rem3A_91, %ne3A_92 : i32
    %and3A_94 = arith.andi %ne3A_90, %ne3A_93 : i1
    %sub3A_95 = arith.constant 1 : i32
    %sub3A_96 = arith.subi %div3A_75, %sub3A_95 : i32
    %select_n3A_97 = arith.select %and3A_94, %sub3A_96, %div3A_75 : i32
    %run_scoped3A_98 = arith.constant 1 : i32
    "tpu.region"() ({
      %run_scoped3A_316 = tpu.sem_alloc : memref<!tpu.dma_semaphore, #tpu.memory_space<semaphore_mem>>
      %dma_start3A_317 = arith.constant 0 : i32
      %dma_start3A_318 = arith.constant 0 : i32
      %dma_start3A_319 = tpu.memref_slice %arg5[%run_scoped3A_98, %dma_start3A_317, %dma_start3A_318] : memref<2x4x128xi32, #tpu.memory_space<vmem>> -> memref<1x4x128xi32, #tpu.memory_space<vmem>>
      %dma_start3A_320 = tpu.memref_squeeze %dma_start3A_319 : memref<1x4x128xi32, #tpu.memory_space<vmem>> -> memref<4x128xi32, #tpu.memory_space<vmem>>
      %dma_start3A_321 = arith.constant 0 : i32
      %dma_start3A_322 = tpu.memref_slice %arg2[%select_n3A_97, %dma_start3A_321] : memref<6400x128xi32, #tpu.memory_space<hbm>> -> memref<4x128xi32, #tpu.memory_space<hbm>>
      %dma_start3A_323 = arith.constant 0 : i32
      %dma_start3A_324 = arith.constant 0 : i32
      %dma_start3A_325 = tpu.memref_slice %arg5[%run_scoped3A_98, %dma_start3A_323, %dma_start3A_324] : memref<2x4x128xi32, #tpu.memory_space<vmem>> -> memref<1x4x128xi32, #tpu.memory_space<vmem>>
      %dma_start3A_326 = tpu.memref_squeeze %dma_start3A_325 : memref<1x4x128xi32, #tpu.memory_space<vmem>> -> memref<4x128xi32, #tpu.memory_space<vmem>>
      %dma_start3A_327 = arith.constant 0 : i32
      %dma_start3A_328 = tpu.memref_slice %arg2[%select_n3A_97, %dma_start3A_327] : memref<6400x128xi32, #tpu.memory_space<hbm>> -> memref<4x128xi32, #tpu.memory_space<hbm>>
      tpu.enqueue_dma source(%dma_start3A_328 : memref<4x128xi32, #tpu.memory_space<hbm>>) target(%dma_start3A_326 : memref<4x128xi32, #tpu.memory_space<vmem>>) target_semaphore(%run_scoped3A_316 : memref<!tpu.dma_semaphore, #tpu.memory_space<semaphore_mem>>)
      %dma_wait3A_329 = arith.constant 0 : i32
      %dma_wait3A_330 = arith.constant 0 : i32
      %dma_wait3A_331 = tpu.memref_slice %arg5[%run_scoped3A_98, %dma_wait3A_329, %dma_wait3A_330] : memref<2x4x128xi32, #tpu.memory_space<vmem>> -> memref<1x4x128xi32, #tpu.memory_space<vmem>>
      %dma_wait3A_332 = tpu.memref_squeeze %dma_wait3A_331 : memref<1x4x128xi32, #tpu.memory_space<vmem>> -> memref<4x128xi32, #tpu.memory_space<vmem>>
      %dma_wait3A_333 = arith.constant 0 : i32
      %dma_wait3A_334 = tpu.memref_slice %arg2[%select_n3A_97, %dma_wait3A_333] : memref<6400x128xi32, #tpu.memory_space<hbm>> -> memref<4x128xi32, #tpu.memory_space<hbm>>
      %dma_wait3A_335 = arith.constant 0 : i32
      %dma_wait3A_336 = arith.constant 0 : i32
      %dma_wait3A_337 = tpu.memref_slice %arg5[%run_scoped3A_98, %dma_wait3A_335, %dma_wait3A_336] : memref<2x4x128xi32, #tpu.memory_space<vmem>> -> memref<1x4x128xi32, #tpu.memory_space<vmem>>
      %dma_wait3A_338 = tpu.memref_squeeze %dma_wait3A_337 : memref<1x4x128xi32, #tpu.memory_space<vmem>> -> memref<4x128xi32, #tpu.memory_space<vmem>>
      %dma_wait3A_339 = arith.constant 0 : i32
      %dma_wait3A_340 = tpu.memref_slice %arg2[%select_n3A_97, %dma_wait3A_339] : memref<6400x128xi32, #tpu.memory_space<hbm>> -> memref<4x128xi32, #tpu.memory_space<hbm>>
      tpu.wait_dma2 semaphore(%run_scoped3A_316 : memref<!tpu.dma_semaphore, #tpu.memory_space<semaphore_mem>>) src(%dma_wait3A_340 : memref<4x128xi32, #tpu.memory_space<hbm>>) dst(%dma_wait3A_338 : memref<4x128xi32, #tpu.memory_space<vmem>>)
      tpu.yield
    }) : () -> ()
    %dma_start3A_99 = arith.constant 1 : i32
    %dma_start3A_100 = arith.constant 0 : i32
    %dma_start3A_101 = arith.constant 1 : i32
    %dma_start3A_102 = arith.constant 0 : i32
    %dma_start3A_103 = arith.constant 0 : i32
    %dma_start3A_104 = tpu.memref_slice %arg6[%dma_start3A_101, %dma_start3A_102, %dma_start3A_103] : memref<2x512x64xf32, #tpu.memory_space<vmem>> -> memref<1x128x64xf32, #tpu.memory_space<vmem>>
    %dma_start3A_105 = tpu.memref_squeeze %dma_start3A_104 : memref<1x128x64xf32, #tpu.memory_space<vmem>> -> memref<128x64xf32, #tpu.memory_space<vmem>>
    %dma_start3A_106 = arith.constant 0 : i32
    %dma_start3A_107 = tpu.memref_slice %arg5[%dma_start3A_99, %dma_start3A_100, %dma_start3A_106] : memref<2x4x128xi32, #tpu.memory_space<vmem>> -> memref<1x1x128xi32, #tpu.memory_space<vmem>>
    %dma_start3A_108 = tpu.memref_squeeze %dma_start3A_107 : memref<1x1x128xi32, #tpu.memory_space<vmem>> -> memref<128xi32, #tpu.memory_space<vmem>>
    %dma_start3A_109 = arith.constant 0 : i32
    %dma_start3A_110 = arith.constant 0 : i32
    %dma_start3A_111 = tpu.memref_slice %arg3[%dma_start3A_109, %dma_start3A_110] : memref<1000000x64xf32, #tpu.memory_space<hbm>> -> memref<1000000x64xf32, #tpu.memory_space<hbm>>
    tpu.enqueue_indirect_dma source(%dma_start3A_111 : memref<1000000x64xf32, #tpu.memory_space<hbm>>) target(%dma_start3A_105 : memref<128x64xf32, #tpu.memory_space<vmem>>) offsets(%dma_start3A_108 : memref<128xi32, #tpu.memory_space<vmem>>) semaphore(%arg8 : memref<!tpu.dma_semaphore, #tpu.memory_space<semaphore_mem>>)
    %dma_start3A_112 = arith.constant 1 : i32
    %dma_start3A_113 = arith.constant 1 : i32
    %dma_start3A_114 = arith.constant 1 : i32
    %dma_start3A_115 = arith.constant 128 : i32
    %dma_start3A_116 = arith.constant 0 : i32
    %dma_start3A_117 = tpu.memref_slice %arg6[%dma_start3A_114, %dma_start3A_115, %dma_start3A_116] : memref<2x512x64xf32, #tpu.memory_space<vmem>> -> memref<1x128x64xf32, #tpu.memory_space<vmem>>
    %dma_start3A_118 = tpu.memref_squeeze %dma_start3A_117 : memref<1x128x64xf32, #tpu.memory_space<vmem>> -> memref<128x64xf32, #tpu.memory_space<vmem>>
    %dma_start3A_119 = arith.constant 0 : i32
    %dma_start3A_120 = tpu.memref_slice %arg5[%dma_start3A_112, %dma_start3A_113, %dma_start3A_119] : memref<2x4x128xi32, #tpu.memory_space<vmem>> -> memref<1x1x128xi32, #tpu.memory_space<vmem>>
    %dma_start3A_121 = tpu.memref_squeeze %dma_start3A_120 : memref<1x1x128xi32, #tpu.memory_space<vmem>> -> memref<128xi32, #tpu.memory_space<vmem>>
    %dma_start3A_122 = arith.constant 0 : i32
    %dma_start3A_123 = arith.constant 0 : i32
    %dma_start3A_124 = tpu.memref_slice %arg3[%dma_start3A_122, %dma_start3A_123] : memref<1000000x64xf32, #tpu.memory_space<hbm>> -> memref<1000000x64xf32, #tpu.memory_space<hbm>>
    tpu.enqueue_indirect_dma source(%dma_start3A_124 : memref<1000000x64xf32, #tpu.memory_space<hbm>>) target(%dma_start3A_118 : memref<128x64xf32, #tpu.memory_space<vmem>>) offsets(%dma_start3A_121 : memref<128xi32, #tpu.memory_space<vmem>>) semaphore(%arg8 : memref<!tpu.dma_semaphore, #tpu.memory_space<semaphore_mem>>)
    %dma_start3A_125 = arith.constant 1 : i32
    %dma_start3A_126 = arith.constant 2 : i32
    %dma_start3A_127 = arith.constant 1 : i32
    %dma_start3A_128 = arith.constant 256 : i32
    %dma_start3A_129 = arith.constant 0 : i32
    %dma_start3A_130 = tpu.memref_slice %arg6[%dma_start3A_127, %dma_start3A_128, %dma_start3A_129] : memref<2x512x64xf32, #tpu.memory_space<vmem>> -> memref<1x128x64xf32, #tpu.memory_space<vmem>>
    %dma_start3A_131 = tpu.memref_squeeze %dma_start3A_130 : memref<1x128x64xf32, #tpu.memory_space<vmem>> -> memref<128x64xf32, #tpu.memory_space<vmem>>
    %dma_start3A_132 = arith.constant 0 : i32
    %dma_start3A_133 = tpu.memref_slice %arg5[%dma_start3A_125, %dma_start3A_126, %dma_start3A_132] : memref<2x4x128xi32, #tpu.memory_space<vmem>> -> memref<1x1x128xi32, #tpu.memory_space<vmem>>
    %dma_start3A_134 = tpu.memref_squeeze %dma_start3A_133 : memref<1x1x128xi32, #tpu.memory_space<vmem>> -> memref<128xi32, #tpu.memory_space<vmem>>
    %dma_start3A_135 = arith.constant 0 : i32
    %dma_start3A_136 = arith.constant 0 : i32
    %dma_start3A_137 = tpu.memref_slice %arg3[%dma_start3A_135, %dma_start3A_136] : memref<1000000x64xf32, #tpu.memory_space<hbm>> -> memref<1000000x64xf32, #tpu.memory_space<hbm>>
    tpu.enqueue_indirect_dma source(%dma_start3A_137 : memref<1000000x64xf32, #tpu.memory_space<hbm>>) target(%dma_start3A_131 : memref<128x64xf32, #tpu.memory_space<vmem>>) offsets(%dma_start3A_134 : memref<128xi32, #tpu.memory_space<vmem>>) semaphore(%arg8 : memref<!tpu.dma_semaphore, #tpu.memory_space<semaphore_mem>>)
    %dma_start3A_138 = arith.constant 1 : i32
    %dma_start3A_139 = arith.constant 3 : i32
    %dma_start3A_140 = arith.constant 1 : i32
    %dma_start3A_141 = arith.constant 384 : i32
    %dma_start3A_142 = arith.constant 0 : i32
    %dma_start3A_143 = tpu.memref_slice %arg6[%dma_start3A_140, %dma_start3A_141, %dma_start3A_142] : memref<2x512x64xf32, #tpu.memory_space<vmem>> -> memref<1x128x64xf32, #tpu.memory_space<vmem>>
    %dma_start3A_144 = tpu.memref_squeeze %dma_start3A_143 : memref<1x128x64xf32, #tpu.memory_space<vmem>> -> memref<128x64xf32, #tpu.memory_space<vmem>>
    %dma_start3A_145 = arith.constant 0 : i32
    %dma_start3A_146 = tpu.memref_slice %arg5[%dma_start3A_138, %dma_start3A_139, %dma_start3A_145] : memref<2x4x128xi32, #tpu.memory_space<vmem>> -> memref<1x1x128xi32, #tpu.memory_space<vmem>>
    %dma_start3A_147 = tpu.memref_squeeze %dma_start3A_146 : memref<1x1x128xi32, #tpu.memory_space<vmem>> -> memref<128xi32, #tpu.memory_space<vmem>>
    %dma_start3A_148 = arith.constant 0 : i32
    %dma_start3A_149 = arith.constant 0 : i32
    %dma_start3A_150 = tpu.memref_slice %arg3[%dma_start3A_148, %dma_start3A_149] : memref<1000000x64xf32, #tpu.memory_space<hbm>> -> memref<1000000x64xf32, #tpu.memory_space<hbm>>
    tpu.enqueue_indirect_dma source(%dma_start3A_150 : memref<1000000x64xf32, #tpu.memory_space<hbm>>) target(%dma_start3A_144 : memref<128x64xf32, #tpu.memory_space<vmem>>) offsets(%dma_start3A_147 : memref<128xi32, #tpu.memory_space<vmem>>) semaphore(%arg8 : memref<!tpu.dma_semaphore, #tpu.memory_space<semaphore_mem>>)
    %dma_wait3A = arith.constant 0 : i32
    %dma_wait3A_151 = arith.constant 0 : i32
    %dma_wait3A_152 = arith.constant 0 : i32
    %dma_wait3A_153 = arith.constant 0 : i32
    %dma_wait3A_154 = arith.constant 0 : i32
    %dma_wait3A_155 = tpu.memref_slice %arg6[%dma_wait3A_152, %dma_wait3A_153, %dma_wait3A_154] : memref<2x512x64xf32, #tpu.memory_space<vmem>> -> memref<1x128x64xf32, #tpu.memory_space<vmem>>
    %dma_wait3A_156 = tpu.memref_squeeze %dma_wait3A_155 : memref<1x128x64xf32, #tpu.memory_space<vmem>> -> memref<128x64xf32, #tpu.memory_space<vmem>>
    %dma_wait3A_157 = arith.constant 0 : i32
    %dma_wait3A_158 = tpu.memref_slice %arg5[%dma_wait3A, %dma_wait3A_151, %dma_wait3A_157] : memref<2x4x128xi32, #tpu.memory_space<vmem>> -> memref<1x1x128xi32, #tpu.memory_space<vmem>>
    %dma_wait3A_159 = tpu.memref_squeeze %dma_wait3A_158 : memref<1x1x128xi32, #tpu.memory_space<vmem>> -> memref<128xi32, #tpu.memory_space<vmem>>
    %dma_wait3A_160 = arith.constant 0 : i32
    %dma_wait3A_161 = arith.constant 0 : i32
    %dma_wait3A_162 = tpu.memref_slice %arg3[%dma_wait3A_160, %dma_wait3A_161] : memref<1000000x64xf32, #tpu.memory_space<hbm>> -> memref<1000000x64xf32, #tpu.memory_space<hbm>>
    tpu.wait_indirect_dma semaphore(%arg7 : memref<!tpu.dma_semaphore, #tpu.memory_space<semaphore_mem>>) src(%dma_wait3A_162 : memref<1000000x64xf32, #tpu.memory_space<hbm>>) dst(%dma_wait3A_156 : memref<128x64xf32, #tpu.memory_space<vmem>>)
    %dma_wait3A_163 = arith.constant 0 : i32
    %dma_wait3A_164 = arith.constant 1 : i32
    %dma_wait3A_165 = arith.constant 0 : i32
    %dma_wait3A_166 = arith.constant 128 : i32
    %dma_wait3A_167 = arith.constant 0 : i32
    %dma_wait3A_168 = tpu.memref_slice %arg6[%dma_wait3A_165, %dma_wait3A_166, %dma_wait3A_167] : memref<2x512x64xf32, #tpu.memory_space<vmem>> -> memref<1x128x64xf32, #tpu.memory_space<vmem>>
    %dma_wait3A_169 = tpu.memref_squeeze %dma_wait3A_168 : memref<1x128x64xf32, #tpu.memory_space<vmem>> -> memref<128x64xf32, #tpu.memory_space<vmem>>
    %dma_wait3A_170 = arith.constant 0 : i32
    %dma_wait3A_171 = tpu.memref_slice %arg5[%dma_wait3A_163, %dma_wait3A_164, %dma_wait3A_170] : memref<2x4x128xi32, #tpu.memory_space<vmem>> -> memref<1x1x128xi32, #tpu.memory_space<vmem>>
    %dma_wait3A_172 = tpu.memref_squeeze %dma_wait3A_171 : memref<1x1x128xi32, #tpu.memory_space<vmem>> -> memref<128xi32, #tpu.memory_space<vmem>>
    %dma_wait3A_173 = arith.constant 0 : i32
    %dma_wait3A_174 = arith.constant 0 : i32
    %dma_wait3A_175 = tpu.memref_slice %arg3[%dma_wait3A_173, %dma_wait3A_174] : memref<1000000x64xf32, #tpu.memory_space<hbm>> -> memref<1000000x64xf32, #tpu.memory_space<hbm>>
    tpu.wait_indirect_dma semaphore(%arg7 : memref<!tpu.dma_semaphore, #tpu.memory_space<semaphore_mem>>) src(%dma_wait3A_175 : memref<1000000x64xf32, #tpu.memory_space<hbm>>) dst(%dma_wait3A_169 : memref<128x64xf32, #tpu.memory_space<vmem>>)
    %dma_wait3A_176 = arith.constant 0 : i32
    %dma_wait3A_177 = arith.constant 2 : i32
    %dma_wait3A_178 = arith.constant 0 : i32
    %dma_wait3A_179 = arith.constant 256 : i32
    %dma_wait3A_180 = arith.constant 0 : i32
    %dma_wait3A_181 = tpu.memref_slice %arg6[%dma_wait3A_178, %dma_wait3A_179, %dma_wait3A_180] : memref<2x512x64xf32, #tpu.memory_space<vmem>> -> memref<1x128x64xf32, #tpu.memory_space<vmem>>
    %dma_wait3A_182 = tpu.memref_squeeze %dma_wait3A_181 : memref<1x128x64xf32, #tpu.memory_space<vmem>> -> memref<128x64xf32, #tpu.memory_space<vmem>>
    %dma_wait3A_183 = arith.constant 0 : i32
    %dma_wait3A_184 = tpu.memref_slice %arg5[%dma_wait3A_176, %dma_wait3A_177, %dma_wait3A_183] : memref<2x4x128xi32, #tpu.memory_space<vmem>> -> memref<1x1x128xi32, #tpu.memory_space<vmem>>
    %dma_wait3A_185 = tpu.memref_squeeze %dma_wait3A_184 : memref<1x1x128xi32, #tpu.memory_space<vmem>> -> memref<128xi32, #tpu.memory_space<vmem>>
    %dma_wait3A_186 = arith.constant 0 : i32
    %dma_wait3A_187 = arith.constant 0 : i32
    %dma_wait3A_188 = tpu.memref_slice %arg3[%dma_wait3A_186, %dma_wait3A_187] : memref<1000000x64xf32, #tpu.memory_space<hbm>> -> memref<1000000x64xf32, #tpu.memory_space<hbm>>
    tpu.wait_indirect_dma semaphore(%arg7 : memref<!tpu.dma_semaphore, #tpu.memory_space<semaphore_mem>>) src(%dma_wait3A_188 : memref<1000000x64xf32, #tpu.memory_space<hbm>>) dst(%dma_wait3A_182 : memref<128x64xf32, #tpu.memory_space<vmem>>)
    %dma_wait3A_189 = arith.constant 0 : i32
    %dma_wait3A_190 = arith.constant 3 : i32
    %dma_wait3A_191 = arith.constant 0 : i32
    %dma_wait3A_192 = arith.constant 384 : i32
    %dma_wait3A_193 = arith.constant 0 : i32
    %dma_wait3A_194 = tpu.memref_slice %arg6[%dma_wait3A_191, %dma_wait3A_192, %dma_wait3A_193] : memref<2x512x64xf32, #tpu.memory_space<vmem>> -> memref<1x128x64xf32, #tpu.memory_space<vmem>>
    %dma_wait3A_195 = tpu.memref_squeeze %dma_wait3A_194 : memref<1x128x64xf32, #tpu.memory_space<vmem>> -> memref<128x64xf32, #tpu.memory_space<vmem>>
    %dma_wait3A_196 = arith.constant 0 : i32
    %dma_wait3A_197 = tpu.memref_slice %arg5[%dma_wait3A_189, %dma_wait3A_190, %dma_wait3A_196] : memref<2x4x128xi32, #tpu.memory_space<vmem>> -> memref<1x1x128xi32, #tpu.memory_space<vmem>>
    %dma_wait3A_198 = tpu.memref_squeeze %dma_wait3A_197 : memref<1x1x128xi32, #tpu.memory_space<vmem>> -> memref<128xi32, #tpu.memory_space<vmem>>
    %dma_wait3A_199 = arith.constant 0 : i32
    %dma_wait3A_200 = arith.constant 0 : i32
    %dma_wait3A_201 = tpu.memref_slice %arg3[%dma_wait3A_199, %dma_wait3A_200] : memref<1000000x64xf32, #tpu.memory_space<hbm>> -> memref<1000000x64xf32, #tpu.memory_space<hbm>>
    tpu.wait_indirect_dma semaphore(%arg7 : memref<!tpu.dma_semaphore, #tpu.memory_space<semaphore_mem>>) src(%dma_wait3A_201 : memref<1000000x64xf32, #tpu.memory_space<hbm>>) dst(%dma_wait3A_195 : memref<128x64xf32, #tpu.memory_space<vmem>>)
    %add3A_202 = arith.constant 0 : i32
    %add3A_203 = arith.addi %mul3A_2, %add3A_202 : i32
    %dma_start3A_204 = arith.constant 0 : i32
    %dma_start3A_205 = arith.constant 0 : i32
    %dma_start3A_206 = arith.constant 0 : i32
    %dma_start3A_207 = tpu.memref_slice %arg6[%dma_start3A_204, %dma_start3A_205, %dma_start3A_206] : memref<2x512x64xf32, #tpu.memory_space<vmem>> -> memref<1x512x64xf32, #tpu.memory_space<vmem>>
    %dma_start3A_208 = tpu.memref_squeeze %dma_start3A_207 : memref<1x512x64xf32, #tpu.memory_space<vmem>> -> memref<512x64xf32, #tpu.memory_space<vmem>>
    %dma_start3A_209 = arith.constant 0 : i32
    %dma_start3A_210 = tpu.memref_slice %arg4[%add3A_203, %dma_start3A_209] : memref<819200x64xf32, #tpu.memory_space<hbm>> -> memref<512x64xf32, #tpu.memory_space<hbm>>
    %dma_start3A_211 = arith.constant 0 : i32
    %dma_start3A_212 = tpu.memref_slice %arg4[%add3A_203, %dma_start3A_211] : memref<819200x64xf32, #tpu.memory_space<hbm>> -> memref<512x64xf32, #tpu.memory_space<hbm>>
    %dma_start3A_213 = arith.constant 0 : i32
    %dma_start3A_214 = arith.constant 0 : i32
    %dma_start3A_215 = tpu.memref_slice %arg6[%dma_start3A_204, %dma_start3A_213, %dma_start3A_214] : memref<2x512x64xf32, #tpu.memory_space<vmem>> -> memref<1x512x64xf32, #tpu.memory_space<vmem>>
    %dma_start3A_216 = tpu.memref_squeeze %dma_start3A_215 : memref<1x512x64xf32, #tpu.memory_space<vmem>> -> memref<512x64xf32, #tpu.memory_space<vmem>>
    tpu.enqueue_dma source(%dma_start3A_216 : memref<512x64xf32, #tpu.memory_space<vmem>>) target(%dma_start3A_212 : memref<512x64xf32, #tpu.memory_space<hbm>>) target_semaphore(%arg9 : memref<!tpu.dma_semaphore, #tpu.memory_space<semaphore_mem>>)
    %scan3A = arith.constant 0 : i32
    %scan3A_217 = arith.constant 0 : i32
    %scan3A_218 = arith.constant 24 : i32
    %scan3A_219 = arith.addi %scan3A_217, %scan3A_218 : i32
    %scan3A_220 = arith.constant 1 : i32
    %scan3A_221 = scf.for %scan3A_316 = %scan3A_217 to %scan3A_219 step %scan3A_220 iter_args(%scan3A_317 = %scan3A) -> (i32)  : i32 {
      %mul3A_318 = arith.constant 2 : i32
      %mul3A_319 = arith.muli %mul3A_318, %scan3A_316 : i32
      %add3A_320 = arith.constant 1 : i32
      %add3A_321 = arith.addi %mul3A_319, %add3A_320 : i32
      %dma_wait3A_322 = arith.constant 0 : i32
      %dma_wait3A_323 = arith.constant 0 : i32
      %dma_wait3A_324 = arith.constant 0 : i32
      %dma_wait3A_325 = tpu.memref_slice %arg6[%dma_wait3A_322, %dma_wait3A_323, %dma_wait3A_324] : memref<2x512x64xf32, #tpu.memory_space<vmem>> -> memref<1x512x64xf32, #tpu.memory_space<vmem>>
      %dma_wait3A_326 = tpu.memref_squeeze %dma_wait3A_325 : memref<1x512x64xf32, #tpu.memory_space<vmem>> -> memref<512x64xf32, #tpu.memory_space<vmem>>
      %dma_wait3A_327 = arith.constant 0 : i32
      %dma_wait3A_328 = tpu.memref_slice %arg4[%mul3A_2, %dma_wait3A_327] : memref<819200x64xf32, #tpu.memory_space<hbm>> -> memref<512x64xf32, #tpu.memory_space<hbm>>
      %dma_wait3A_329 = arith.constant 0 : i32
      %dma_wait3A_330 = tpu.memref_slice %arg4[%mul3A_2, %dma_wait3A_329] : memref<819200x64xf32, #tpu.memory_space<hbm>> -> memref<512x64xf32, #tpu.memory_space<hbm>>
      %dma_wait3A_331 = arith.constant 0 : i32
      %dma_wait3A_332 = arith.constant 0 : i32
      %dma_wait3A_333 = tpu.memref_slice %arg6[%dma_wait3A_322, %dma_wait3A_331, %dma_wait3A_332] : memref<2x512x64xf32, #tpu.memory_space<vmem>> -> memref<1x512x64xf32, #tpu.memory_space<vmem>>
      %dma_wait3A_334 = tpu.memref_squeeze %dma_wait3A_333 : memref<1x512x64xf32, #tpu.memory_space<vmem>> -> memref<512x64xf32, #tpu.memory_space<vmem>>
      tpu.wait_dma2 semaphore(%arg9 : memref<!tpu.dma_semaphore, #tpu.memory_space<semaphore_mem>>) src(%dma_wait3A_334 : memref<512x64xf32, #tpu.memory_space<vmem>>) dst(%dma_wait3A_330 : memref<512x64xf32, #tpu.memory_space<hbm>>)
      %add3A_335 = arith.constant 1 : i32
      %add3A_336 = arith.addi %add3A_321, %add3A_335 : i32
      %mul3A_337 = arith.constant 512 : i32
      %mul3A_338 = arith.muli %add3A_336, %mul3A_337 : i32
      %add3A_339 = arith.addi %mul3A_2, %mul3A_338 : i32
      %jit3A_340 = arith.constant 128 : i32
      %div3A_341 = arith.divsi %add3A_339, %jit3A_340 : i32
      %sign3A_342 = arith.constant 0 : i32
      %sign3A_343 = arith.cmpi sgt, %add3A_339, %sign3A_342 : i32
      %sign3A_344 = arith.extui %sign3A_343 : i1 to i32
      %sign3A_345 = arith.constant 0 : i32
      %sign3A_346 = arith.cmpi slt, %add3A_339, %sign3A_345 : i32
      %sign3A_347 = arith.extui %sign3A_346 : i1 to i32
      %sign3A_348 = arith.subi %sign3A_344, %sign3A_347 : i32
      %sign3A_349 = arith.constant 0 : i32
      %sign3A_350 = arith.cmpi sgt, %jit3A_340, %sign3A_349 : i32
      %sign3A_351 = arith.extui %sign3A_350 : i1 to i32
      %sign3A_352 = arith.constant 0 : i32
      %sign3A_353 = arith.cmpi slt, %jit3A_340, %sign3A_352 : i32
      %sign3A_354 = arith.extui %sign3A_353 : i1 to i32
      %sign3A_355 = arith.subi %sign3A_351, %sign3A_354 : i32
      %ne3A_356 = arith.cmpi ne, %sign3A_348, %sign3A_355 : i32
      %rem3A_357 = arith.remsi %add3A_339, %jit3A_340 : i32
      %ne3A_358 = arith.constant 0 : i32
      %ne3A_359 = arith.cmpi ne, %rem3A_357, %ne3A_358 : i32
      %and3A_360 = arith.andi %ne3A_356, %ne3A_359 : i1
      %sub3A_361 = arith.constant 1 : i32
      %sub3A_362 = arith.subi %div3A_341, %sub3A_361 : i32
      %select_n3A_363 = arith.select %and3A_360, %sub3A_362, %div3A_341 : i32
      %run_scoped3A_364 = arith.constant 0 : i32
      "tpu.region"() ({
        %run_scoped3A_653 = tpu.sem_alloc : memref<!tpu.dma_semaphore, #tpu.memory_space<semaphore_mem>>
        %dma_start3A_654 = arith.constant 0 : i32
        %dma_start3A_655 = arith.constant 0 : i32
        %dma_start3A_656 = tpu.memref_slice %arg5[%run_scoped3A_364, %dma_start3A_654, %dma_start3A_655] : memref<2x4x128xi32, #tpu.memory_space<vmem>> -> memref<1x4x128xi32, #tpu.memory_space<vmem>>
        %dma_start3A_657 = tpu.memref_squeeze %dma_start3A_656 : memref<1x4x128xi32, #tpu.memory_space<vmem>> -> memref<4x128xi32, #tpu.memory_space<vmem>>
        %dma_start3A_658 = arith.constant 0 : i32
        %dma_start3A_659 = tpu.memref_slice %arg2[%select_n3A_363, %dma_start3A_658] : memref<6400x128xi32, #tpu.memory_space<hbm>> -> memref<4x128xi32, #tpu.memory_space<hbm>>
        %dma_start3A_660 = arith.constant 0 : i32
        %dma_start3A_661 = arith.constant 0 : i32
        %dma_start3A_662 = tpu.memref_slice %arg5[%run_scoped3A_364, %dma_start3A_660, %dma_start3A_661] : memref<2x4x128xi32, #tpu.memory_space<vmem>> -> memref<1x4x128xi32, #tpu.memory_space<vmem>>
        %dma_start3A_663 = tpu.memref_squeeze %dma_start3A_662 : memref<1x4x128xi32, #tpu.memory_space<vmem>> -> memref<4x128xi32, #tpu.memory_space<vmem>>
        %dma_start3A_664 = arith.constant 0 : i32
        %dma_start3A_665 = tpu.memref_slice %arg2[%select_n3A_363, %dma_start3A_664] : memref<6400x128xi32, #tpu.memory_space<hbm>> -> memref<4x128xi32, #tpu.memory_space<hbm>>
        tpu.enqueue_dma source(%dma_start3A_665 : memref<4x128xi32, #tpu.memory_space<hbm>>) target(%dma_start3A_663 : memref<4x128xi32, #tpu.memory_space<vmem>>) target_semaphore(%run_scoped3A_653 : memref<!tpu.dma_semaphore, #tpu.memory_space<semaphore_mem>>)
        %dma_wait3A_666 = arith.constant 0 : i32
        %dma_wait3A_667 = arith.constant 0 : i32
        %dma_wait3A_668 = tpu.memref_slice %arg5[%run_scoped3A_364, %dma_wait3A_666, %dma_wait3A_667] : memref<2x4x128xi32, #tpu.memory_space<vmem>> -> memref<1x4x128xi32, #tpu.memory_space<vmem>>
        %dma_wait3A_669 = tpu.memref_squeeze %dma_wait3A_668 : memref<1x4x128xi32, #tpu.memory_space<vmem>> -> memref<4x128xi32, #tpu.memory_space<vmem>>
        %dma_wait3A_670 = arith.constant 0 : i32
        %dma_wait3A_671 = tpu.memref_slice %arg2[%select_n3A_363, %dma_wait3A_670] : memref<6400x128xi32, #tpu.memory_space<hbm>> -> memref<4x128xi32, #tpu.memory_space<hbm>>
        %dma_wait3A_672 = arith.constant 0 : i32
        %dma_wait3A_673 = arith.constant 0 : i32
        %dma_wait3A_674 = tpu.memref_slice %arg5[%run_scoped3A_364, %dma_wait3A_672, %dma_wait3A_673] : memref<2x4x128xi32, #tpu.memory_space<vmem>> -> memref<1x4x128xi32, #tpu.memory_space<vmem>>
        %dma_wait3A_675 = tpu.memref_squeeze %dma_wait3A_674 : memref<1x4x128xi32, #tpu.memory_space<vmem>> -> memref<4x128xi32, #tpu.memory_space<vmem>>
        %dma_wait3A_676 = arith.constant 0 : i32
        %dma_wait3A_677 = tpu.memref_slice %arg2[%select_n3A_363, %dma_wait3A_676] : memref<6400x128xi32, #tpu.memory_space<hbm>> -> memref<4x128xi32, #tpu.memory_space<hbm>>
        tpu.wait_dma2 semaphore(%run_scoped3A_653 : memref<!tpu.dma_semaphore, #tpu.memory_space<semaphore_mem>>) src(%dma_wait3A_677 : memref<4x128xi32, #tpu.memory_space<hbm>>) dst(%dma_wait3A_675 : memref<4x128xi32, #tpu.memory_space<vmem>>)
        tpu.yield
      }) : () -> ()
      %dma_start3A_365 = arith.constant 0 : i32
      %dma_start3A_366 = arith.constant 0 : i32
      %dma_start3A_367 = arith.constant 0 : i32
      %dma_start3A_368 = arith.constant 0 : i32
      %dma_start3A_369 = arith.constant 0 : i32
      %dma_start3A_370 = tpu.memref_slice %arg6[%dma_start3A_367, %dma_start3A_368, %dma_start3A_369] : memref<2x512x64xf32, #tpu.memory_space<vmem>> -> memref<1x128x64xf32, #tpu.memory_space<vmem>>
      %dma_start3A_371 = tpu.memref_squeeze %dma_start3A_370 : memref<1x128x64xf32, #tpu.memory_space<vmem>> -> memref<128x64xf32, #tpu.memory_space<vmem>>
      %dma_start3A_372 = arith.constant 0 : i32
      %dma_start3A_373 = tpu.memref_slice %arg5[%dma_start3A_365, %dma_start3A_366, %dma_start3A_372] : memref<2x4x128xi32, #tpu.memory_space<vmem>> -> memref<1x1x128xi32, #tpu.memory_space<vmem>>
      %dma_start3A_374 = tpu.memref_squeeze %dma_start3A_373 : memref<1x1x128xi32, #tpu.memory_space<vmem>> -> memref<128xi32, #tpu.memory_space<vmem>>
      %dma_start3A_375 = arith.constant 0 : i32
      %dma_start3A_376 = arith.constant 0 : i32
      %dma_start3A_377 = tpu.memref_slice %arg3[%dma_start3A_375, %dma_start3A_376] : memref<1000000x64xf32, #tpu.memory_space<hbm>> -> memref<1000000x64xf32, #tpu.memory_space<hbm>>
      tpu.enqueue_indirect_dma source(%dma_start3A_377 : memref<1000000x64xf32, #tpu.memory_space<hbm>>) target(%dma_start3A_371 : memref<128x64xf32, #tpu.memory_space<vmem>>) offsets(%dma_start3A_374 : memref<128xi32, #tpu.memory_space<vmem>>) semaphore(%arg7 : memref<!tpu.dma_semaphore, #tpu.memory_space<semaphore_mem>>)
      %dma_start3A_378 = arith.constant 0 : i32
      %dma_start3A_379 = arith.constant 1 : i32
      %dma_start3A_380 = arith.constant 0 : i32
      %dma_start3A_381 = arith.constant 128 : i32
      %dma_start3A_382 = arith.constant 0 : i32
      %dma_start3A_383 = tpu.memref_slice %arg6[%dma_start3A_380, %dma_start3A_381, %dma_start3A_382] : memref<2x512x64xf32, #tpu.memory_space<vmem>> -> memref<1x128x64xf32, #tpu.memory_space<vmem>>
      %dma_start3A_384 = tpu.memref_squeeze %dma_start3A_383 : memref<1x128x64xf32, #tpu.memory_space<vmem>> -> memref<128x64xf32, #tpu.memory_space<vmem>>
      %dma_start3A_385 = arith.constant 0 : i32
      %dma_start3A_386 = tpu.memref_slice %arg5[%dma_start3A_378, %dma_start3A_379, %dma_start3A_385] : memref<2x4x128xi32, #tpu.memory_space<vmem>> -> memref<1x1x128xi32, #tpu.memory_space<vmem>>
      %dma_start3A_387 = tpu.memref_squeeze %dma_start3A_386 : memref<1x1x128xi32, #tpu.memory_space<vmem>> -> memref<128xi32, #tpu.memory_space<vmem>>
      %dma_start3A_388 = arith.constant 0 : i32
      %dma_start3A_389 = arith.constant 0 : i32
      %dma_start3A_390 = tpu.memref_slice %arg3[%dma_start3A_388, %dma_start3A_389] : memref<1000000x64xf32, #tpu.memory_space<hbm>> -> memref<1000000x64xf32, #tpu.memory_space<hbm>>
      tpu.enqueue_indirect_dma source(%dma_start3A_390 : memref<1000000x64xf32, #tpu.memory_space<hbm>>) target(%dma_start3A_384 : memref<128x64xf32, #tpu.memory_space<vmem>>) offsets(%dma_start3A_387 : memref<128xi32, #tpu.memory_space<vmem>>) semaphore(%arg7 : memref<!tpu.dma_semaphore, #tpu.memory_space<semaphore_mem>>)
      %dma_start3A_391 = arith.constant 0 : i32
      %dma_start3A_392 = arith.constant 2 : i32
      %dma_start3A_393 = arith.constant 0 : i32
      %dma_start3A_394 = arith.constant 256 : i32
      %dma_start3A_395 = arith.constant 0 : i32
      %dma_start3A_396 = tpu.memref_slice %arg6[%dma_start3A_393, %dma_start3A_394, %dma_start3A_395] : memref<2x512x64xf32, #tpu.memory_space<vmem>> -> memref<1x128x64xf32, #tpu.memory_space<vmem>>
      %dma_start3A_397 = tpu.memref_squeeze %dma_start3A_396 : memref<1x128x64xf32, #tpu.memory_space<vmem>> -> memref<128x64xf32, #tpu.memory_space<vmem>>
      %dma_start3A_398 = arith.constant 0 : i32
      %dma_start3A_399 = tpu.memref_slice %arg5[%dma_start3A_391, %dma_start3A_392, %dma_start3A_398] : memref<2x4x128xi32, #tpu.memory_space<vmem>> -> memref<1x1x128xi32, #tpu.memory_space<vmem>>
      %dma_start3A_400 = tpu.memref_squeeze %dma_start3A_399 : memref<1x1x128xi32, #tpu.memory_space<vmem>> -> memref<128xi32, #tpu.memory_space<vmem>>
      %dma_start3A_401 = arith.constant 0 : i32
      %dma_start3A_402 = arith.constant 0 : i32
      %dma_start3A_403 = tpu.memref_slice %arg3[%dma_start3A_401, %dma_start3A_402] : memref<1000000x64xf32, #tpu.memory_space<hbm>> -> memref<1000000x64xf32, #tpu.memory_space<hbm>>
      tpu.enqueue_indirect_dma source(%dma_start3A_403 : memref<1000000x64xf32, #tpu.memory_space<hbm>>) target(%dma_start3A_397 : memref<128x64xf32, #tpu.memory_space<vmem>>) offsets(%dma_start3A_400 : memref<128xi32, #tpu.memory_space<vmem>>) semaphore(%arg7 : memref<!tpu.dma_semaphore, #tpu.memory_space<semaphore_mem>>)
      %dma_start3A_404 = arith.constant 0 : i32
      %dma_start3A_405 = arith.constant 3 : i32
      %dma_start3A_406 = arith.constant 0 : i32
      %dma_start3A_407 = arith.constant 384 : i32
      %dma_start3A_408 = arith.constant 0 : i32
      %dma_start3A_409 = tpu.memref_slice %arg6[%dma_start3A_406, %dma_start3A_407, %dma_start3A_408] : memref<2x512x64xf32, #tpu.memory_space<vmem>> -> memref<1x128x64xf32, #tpu.memory_space<vmem>>
      %dma_start3A_410 = tpu.memref_squeeze %dma_start3A_409 : memref<1x128x64xf32, #tpu.memory_space<vmem>> -> memref<128x64xf32, #tpu.memory_space<vmem>>
      %dma_start3A_411 = arith.constant 0 : i32
      %dma_start3A_412 = tpu.memref_slice %arg5[%dma_start3A_404, %dma_start3A_405, %dma_start3A_411] : memref<2x4x128xi32, #tpu.memory_space<vmem>> -> memref<1x1x128xi32, #tpu.memory_space<vmem>>
      %dma_start3A_413 = tpu.memref_squeeze %dma_start3A_412 : memref<1x1x128xi32, #tpu.memory_space<vmem>> -> memref<128xi32, #tpu.memory_space<vmem>>
      %dma_start3A_414 = arith.constant 0 : i32
      %dma_start3A_415 = arith.constant 0 : i32
      %dma_start3A_416 = tpu.memref_slice %arg3[%dma_start3A_414, %dma_start3A_415] : memref<1000000x64xf32, #tpu.memory_space<hbm>> -> memref<1000000x64xf32, #tpu.memory_space<hbm>>
      tpu.enqueue_indirect_dma source(%dma_start3A_416 : memref<1000000x64xf32, #tpu.memory_space<hbm>>) target(%dma_start3A_410 : memref<128x64xf32, #tpu.memory_space<vmem>>) offsets(%dma_start3A_413 : memref<128xi32, #tpu.memory_space<vmem>>) semaphore(%arg7 : memref<!tpu.dma_semaphore, #tpu.memory_space<semaphore_mem>>)
      %dma_wait3A_417 = arith.constant 1 : i32
      %dma_wait3A_418 = arith.constant 0 : i32
      %dma_wait3A_419 = arith.constant 1 : i32
      %dma_wait3A_420 = arith.constant 0 : i32
      %dma_wait3A_421 = arith.constant 0 : i32
      %dma_wait3A_422 = tpu.memref_slice %arg6[%dma_wait3A_419, %dma_wait3A_420, %dma_wait3A_421] : memref<2x512x64xf32, #tpu.memory_space<vmem>> -> memref<1x128x64xf32, #tpu.memory_space<vmem>>
      %dma_wait3A_423 = tpu.memref_squeeze %dma_wait3A_422 : memref<1x128x64xf32, #tpu.memory_space<vmem>> -> memref<128x64xf32, #tpu.memory_space<vmem>>
      %dma_wait3A_424 = arith.constant 0 : i32
      %dma_wait3A_425 = tpu.memref_slice %arg5[%dma_wait3A_417, %dma_wait3A_418, %dma_wait3A_424] : memref<2x4x128xi32, #tpu.memory_space<vmem>> -> memref<1x1x128xi32, #tpu.memory_space<vmem>>
      %dma_wait3A_426 = tpu.memref_squeeze %dma_wait3A_425 : memref<1x1x128xi32, #tpu.memory_space<vmem>> -> memref<128xi32, #tpu.memory_space<vmem>>
      %dma_wait3A_427 = arith.constant 0 : i32
      %dma_wait3A_428 = arith.constant 0 : i32
      %dma_wait3A_429 = tpu.memref_slice %arg3[%dma_wait3A_427, %dma_wait3A_428] : memref<1000000x64xf32, #tpu.memory_space<hbm>> -> memref<1000000x64xf32, #tpu.memory_space<hbm>>
      tpu.wait_indirect_dma semaphore(%arg8 : memref<!tpu.dma_semaphore, #tpu.memory_space<semaphore_mem>>) src(%dma_wait3A_429 : memref<1000000x64xf32, #tpu.memory_space<hbm>>) dst(%dma_wait3A_423 : memref<128x64xf32, #tpu.memory_space<vmem>>)
      %dma_wait3A_430 = arith.constant 1 : i32
      %dma_wait3A_431 = arith.constant 1 : i32
      %dma_wait3A_432 = arith.constant 1 : i32
      %dma_wait3A_433 = arith.constant 128 : i32
      %dma_wait3A_434 = arith.constant 0 : i32
      %dma_wait3A_435 = tpu.memref_slice %arg6[%dma_wait3A_432, %dma_wait3A_433, %dma_wait3A_434] : memref<2x512x64xf32, #tpu.memory_space<vmem>> -> memref<1x128x64xf32, #tpu.memory_space<vmem>>
      %dma_wait3A_436 = tpu.memref_squeeze %dma_wait3A_435 : memref<1x128x64xf32, #tpu.memory_space<vmem>> -> memref<128x64xf32, #tpu.memory_space<vmem>>
      %dma_wait3A_437 = arith.constant 0 : i32
      %dma_wait3A_438 = tpu.memref_slice %arg5[%dma_wait3A_430, %dma_wait3A_431, %dma_wait3A_437] : memref<2x4x128xi32, #tpu.memory_space<vmem>> -> memref<1x1x128xi32, #tpu.memory_space<vmem>>
      %dma_wait3A_439 = tpu.memref_squeeze %dma_wait3A_438 : memref<1x1x128xi32, #tpu.memory_space<vmem>> -> memref<128xi32, #tpu.memory_space<vmem>>
      %dma_wait3A_440 = arith.constant 0 : i32
      %dma_wait3A_441 = arith.constant 0 : i32
      %dma_wait3A_442 = tpu.memref_slice %arg3[%dma_wait3A_440, %dma_wait3A_441] : memref<1000000x64xf32, #tpu.memory_space<hbm>> -> memref<1000000x64xf32, #tpu.memory_space<hbm>>
      tpu.wait_indirect_dma semaphore(%arg8 : memref<!tpu.dma_semaphore, #tpu.memory_space<semaphore_mem>>) src(%dma_wait3A_442 : memref<1000000x64xf32, #tpu.memory_space<hbm>>) dst(%dma_wait3A_436 : memref<128x64xf32, #tpu.memory_space<vmem>>)
      %dma_wait3A_443 = arith.constant 1 : i32
      %dma_wait3A_444 = arith.constant 2 : i32
      %dma_wait3A_445 = arith.constant 1 : i32
      %dma_wait3A_446 = arith.constant 256 : i32
      %dma_wait3A_447 = arith.constant 0 : i32
      %dma_wait3A_448 = tpu.memref_slice %arg6[%dma_wait3A_445, %dma_wait3A_446, %dma_wait3A_447] : memref<2x512x64xf32, #tpu.memory_space<vmem>> -> memref<1x128x64xf32, #tpu.memory_space<vmem>>
      %dma_wait3A_449 = tpu.memref_squeeze %dma_wait3A_448 : memref<1x128x64xf32, #tpu.memory_space<vmem>> -> memref<128x64xf32, #tpu.memory_space<vmem>>
      %dma_wait3A_450 = arith.constant 0 : i32
      %dma_wait3A_451 = tpu.memref_slice %arg5[%dma_wait3A_443, %dma_wait3A_444, %dma_wait3A_450] : memref<2x4x128xi32, #tpu.memory_space<vmem>> -> memref<1x1x128xi32, #tpu.memory_space<vmem>>
      %dma_wait3A_452 = tpu.memref_squeeze %dma_wait3A_451 : memref<1x1x128xi32, #tpu.memory_space<vmem>> -> memref<128xi32, #tpu.memory_space<vmem>>
      %dma_wait3A_453 = arith.constant 0 : i32
      %dma_wait3A_454 = arith.constant 0 : i32
      %dma_wait3A_455 = tpu.memref_slice %arg3[%dma_wait3A_453, %dma_wait3A_454] : memref<1000000x64xf32, #tpu.memory_space<hbm>> -> memref<1000000x64xf32, #tpu.memory_space<hbm>>
      tpu.wait_indirect_dma semaphore(%arg8 : memref<!tpu.dma_semaphore, #tpu.memory_space<semaphore_mem>>) src(%dma_wait3A_455 : memref<1000000x64xf32, #tpu.memory_space<hbm>>) dst(%dma_wait3A_449 : memref<128x64xf32, #tpu.memory_space<vmem>>)
      %dma_wait3A_456 = arith.constant 1 : i32
      %dma_wait3A_457 = arith.constant 3 : i32
      %dma_wait3A_458 = arith.constant 1 : i32
      %dma_wait3A_459 = arith.constant 384 : i32
      %dma_wait3A_460 = arith.constant 0 : i32
      %dma_wait3A_461 = tpu.memref_slice %arg6[%dma_wait3A_458, %dma_wait3A_459, %dma_wait3A_460] : memref<2x512x64xf32, #tpu.memory_space<vmem>> -> memref<1x128x64xf32, #tpu.memory_space<vmem>>
      %dma_wait3A_462 = tpu.memref_squeeze %dma_wait3A_461 : memref<1x128x64xf32, #tpu.memory_space<vmem>> -> memref<128x64xf32, #tpu.memory_space<vmem>>
      %dma_wait3A_463 = arith.constant 0 : i32
      %dma_wait3A_464 = tpu.memref_slice %arg5[%dma_wait3A_456, %dma_wait3A_457, %dma_wait3A_463] : memref<2x4x128xi32, #tpu.memory_space<vmem>> -> memref<1x1x128xi32, #tpu.memory_space<vmem>>
      %dma_wait3A_465 = tpu.memref_squeeze %dma_wait3A_464 : memref<1x1x128xi32, #tpu.memory_space<vmem>> -> memref<128xi32, #tpu.memory_space<vmem>>
      %dma_wait3A_466 = arith.constant 0 : i32
      %dma_wait3A_467 = arith.constant 0 : i32
      %dma_wait3A_468 = tpu.memref_slice %arg3[%dma_wait3A_466, %dma_wait3A_467] : memref<1000000x64xf32, #tpu.memory_space<hbm>> -> memref<1000000x64xf32, #tpu.memory_space<hbm>>
      tpu.wait_indirect_dma semaphore(%arg8 : memref<!tpu.dma_semaphore, #tpu.memory_space<semaphore_mem>>) src(%dma_wait3A_468 : memref<1000000x64xf32, #tpu.memory_space<hbm>>) dst(%dma_wait3A_462 : memref<128x64xf32, #tpu.memory_space<vmem>>)
      %mul3A_469 = arith.constant 512 : i32
      %mul3A_470 = arith.muli %add3A_321, %mul3A_469 : i32
      %add3A_471 = arith.addi %mul3A_2, %mul3A_470 : i32
      %dma_start3A_472 = arith.constant 1 : i32
      %dma_start3A_473 = arith.constant 0 : i32
      %dma_start3A_474 = arith.constant 0 : i32
      %dma_start3A_475 = tpu.memref_slice %arg6[%dma_start3A_472, %dma_start3A_473, %dma_start3A_474] : memref<2x512x64xf32, #tpu.memory_space<vmem>> -> memref<1x512x64xf32, #tpu.memory_space<vmem>>
      %dma_start3A_476 = tpu.memref_squeeze %dma_start3A_475 : memref<1x512x64xf32, #tpu.memory_space<vmem>> -> memref<512x64xf32, #tpu.memory_space<vmem>>
      %dma_start3A_477 = arith.constant 0 : i32
      %dma_start3A_478 = tpu.memref_slice %arg4[%add3A_471, %dma_start3A_477] : memref<819200x64xf32, #tpu.memory_space<hbm>> -> memref<512x64xf32, #tpu.memory_space<hbm>>
      %dma_start3A_479 = arith.constant 0 : i32
      %dma_start3A_480 = tpu.memref_slice %arg4[%add3A_471, %dma_start3A_479] : memref<819200x64xf32, #tpu.memory_space<hbm>> -> memref<512x64xf32, #tpu.memory_space<hbm>>
      %dma_start3A_481 = arith.constant 0 : i32
      %dma_start3A_482 = arith.constant 0 : i32
      %dma_start3A_483 = tpu.memref_slice %arg6[%dma_start3A_472, %dma_start3A_481, %dma_start3A_482] : memref<2x512x64xf32, #tpu.memory_space<vmem>> -> memref<1x512x64xf32, #tpu.memory_space<vmem>>
      %dma_start3A_484 = tpu.memref_squeeze %dma_start3A_483 : memref<1x512x64xf32, #tpu.memory_space<vmem>> -> memref<512x64xf32, #tpu.memory_space<vmem>>
      tpu.enqueue_dma source(%dma_start3A_484 : memref<512x64xf32, #tpu.memory_space<vmem>>) target(%dma_start3A_480 : memref<512x64xf32, #tpu.memory_space<hbm>>) target_semaphore(%arg10 : memref<!tpu.dma_semaphore, #tpu.memory_space<semaphore_mem>>)
      %mul3A_485 = arith.constant 2 : i32
      %mul3A_486 = arith.muli %mul3A_485, %scan3A_316 : i32
      %add3A_487 = arith.constant 2 : i32
      %add3A_488 = arith.addi %mul3A_486, %add3A_487 : i32
      %dma_wait3A_489 = arith.constant 1 : i32
      %dma_wait3A_490 = arith.constant 0 : i32
      %dma_wait3A_491 = arith.constant 0 : i32
      %dma_wait3A_492 = tpu.memref_slice %arg6[%dma_wait3A_489, %dma_wait3A_490, %dma_wait3A_491] : memref<2x512x64xf32, #tpu.memory_space<vmem>> -> memref<1x512x64xf32, #tpu.memory_space<vmem>>
      %dma_wait3A_493 = tpu.memref_squeeze %dma_wait3A_492 : memref<1x512x64xf32, #tpu.memory_space<vmem>> -> memref<512x64xf32, #tpu.memory_space<vmem>>
      %dma_wait3A_494 = arith.constant 0 : i32
      %dma_wait3A_495 = tpu.memref_slice %arg4[%mul3A_2, %dma_wait3A_494] : memref<819200x64xf32, #tpu.memory_space<hbm>> -> memref<512x64xf32, #tpu.memory_space<hbm>>
      %dma_wait3A_496 = arith.constant 0 : i32
      %dma_wait3A_497 = tpu.memref_slice %arg4[%mul3A_2, %dma_wait3A_496] : memref<819200x64xf32, #tpu.memory_space<hbm>> -> memref<512x64xf32, #tpu.memory_space<hbm>>
      %dma_wait3A_498 = arith.constant 0 : i32
      %dma_wait3A_499 = arith.constant 0 : i32
      %dma_wait3A_500 = tpu.memref_slice %arg6[%dma_wait3A_489, %dma_wait3A_498, %dma_wait3A_499] : memref<2x512x64xf32, #tpu.memory_space<vmem>> -> memref<1x512x64xf32, #tpu.memory_space<vmem>>
      %dma_wait3A_501 = tpu.memref_squeeze %dma_wait3A_500 : memref<1x512x64xf32, #tpu.memory_space<vmem>> -> memref<512x64xf32, #tpu.memory_space<vmem>>
      tpu.wait_dma2 semaphore(%arg10 : memref<!tpu.dma_semaphore, #tpu.memory_space<semaphore_mem>>) src(%dma_wait3A_501 : memref<512x64xf32, #tpu.memory_space<vmem>>) dst(%dma_wait3A_497 : memref<512x64xf32, #tpu.memory_space<hbm>>)
      %add3A_502 = arith.constant 1 : i32
      %add3A_503 = arith.addi %add3A_488, %add3A_502 : i32
      %mul3A_504 = arith.constant 512 : i32
      %mul3A_505 = arith.muli %add3A_503, %mul3A_504 : i32
      %add3A_506 = arith.addi %mul3A_2, %mul3A_505 : i32
      %jit3A_507 = arith.constant 128 : i32
      %div3A_508 = arith.divsi %add3A_506, %jit3A_507 : i32
      %sign3A_509 = arith.constant 0 : i32
      %sign3A_510 = arith.cmpi sgt, %add3A_506, %sign3A_509 : i32
      %sign3A_511 = arith.extui %sign3A_510 : i1 to i32
      %sign3A_512 = arith.constant 0 : i32
      %sign3A_513 = arith.cmpi slt, %add3A_506, %sign3A_512 : i32
      %sign3A_514 = arith.extui %sign3A_513 : i1 to i32
      %sign3A_515 = arith.subi %sign3A_511, %sign3A_514 : i32
      %sign3A_516 = arith.constant 0 : i32
      %sign3A_517 = arith.cmpi sgt, %jit3A_507, %sign3A_516 : i32
      %sign3A_518 = arith.extui %sign3A_517 : i1 to i32
      %sign3A_519 = arith.constant 0 : i32
      %sign3A_520 = arith.cmpi slt, %jit3A_507, %sign3A_519 : i32
      %sign3A_521 = arith.extui %sign3A_520 : i1 to i32
      %sign3A_522 = arith.subi %sign3A_518, %sign3A_521 : i32
      %ne3A_523 = arith.cmpi ne, %sign3A_515, %sign3A_522 : i32
      %rem3A_524 = arith.remsi %add3A_506, %jit3A_507 : i32
      %ne3A_525 = arith.constant 0 : i32
      %ne3A_526 = arith.cmpi ne, %rem3A_524, %ne3A_525 : i32
      %and3A_527 = arith.andi %ne3A_523, %ne3A_526 : i1
      %sub3A_528 = arith.constant 1 : i32
      %sub3A_529 = arith.subi %div3A_508, %sub3A_528 : i32
      %select_n3A_530 = arith.select %and3A_527, %sub3A_529, %div3A_508 : i32
      %run_scoped3A_531 = arith.constant 1 : i32
      "tpu.region"() ({
        %run_scoped3A_653 = tpu.sem_alloc : memref<!tpu.dma_semaphore, #tpu.memory_space<semaphore_mem>>
        %dma_start3A_654 = arith.constant 0 : i32
        %dma_start3A_655 = arith.constant 0 : i32
        %dma_start3A_656 = tpu.memref_slice %arg5[%run_scoped3A_531, %dma_start3A_654, %dma_start3A_655] : memref<2x4x128xi32, #tpu.memory_space<vmem>> -> memref<1x4x128xi32, #tpu.memory_space<vmem>>
        %dma_start3A_657 = tpu.memref_squeeze %dma_start3A_656 : memref<1x4x128xi32, #tpu.memory_space<vmem>> -> memref<4x128xi32, #tpu.memory_space<vmem>>
        %dma_start3A_658 = arith.constant 0 : i32
        %dma_start3A_659 = tpu.memref_slice %arg2[%select_n3A_530, %dma_start3A_658] : memref<6400x128xi32, #tpu.memory_space<hbm>> -> memref<4x128xi32, #tpu.memory_space<hbm>>
        %dma_start3A_660 = arith.constant 0 : i32
        %dma_start3A_661 = arith.constant 0 : i32
        %dma_start3A_662 = tpu.memref_slice %arg5[%run_scoped3A_531, %dma_start3A_660, %dma_start3A_661] : memref<2x4x128xi32, #tpu.memory_space<vmem>> -> memref<1x4x128xi32, #tpu.memory_space<vmem>>
        %dma_start3A_663 = tpu.memref_squeeze %dma_start3A_662 : memref<1x4x128xi32, #tpu.memory_space<vmem>> -> memref<4x128xi32, #tpu.memory_space<vmem>>
        %dma_start3A_664 = arith.constant 0 : i32
        %dma_start3A_665 = tpu.memref_slice %arg2[%select_n3A_530, %dma_start3A_664] : memref<6400x128xi32, #tpu.memory_space<hbm>> -> memref<4x128xi32, #tpu.memory_space<hbm>>
        tpu.enqueue_dma source(%dma_start3A_665 : memref<4x128xi32, #tpu.memory_space<hbm>>) target(%dma_start3A_663 : memref<4x128xi32, #tpu.memory_space<vmem>>) target_semaphore(%run_scoped3A_653 : memref<!tpu.dma_semaphore, #tpu.memory_space<semaphore_mem>>)
        %dma_wait3A_666 = arith.constant 0 : i32
        %dma_wait3A_667 = arith.constant 0 : i32
        %dma_wait3A_668 = tpu.memref_slice %arg5[%run_scoped3A_531, %dma_wait3A_666, %dma_wait3A_667] : memref<2x4x128xi32, #tpu.memory_space<vmem>> -> memref<1x4x128xi32, #tpu.memory_space<vmem>>
        %dma_wait3A_669 = tpu.memref_squeeze %dma_wait3A_668 : memref<1x4x128xi32, #tpu.memory_space<vmem>> -> memref<4x128xi32, #tpu.memory_space<vmem>>
        %dma_wait3A_670 = arith.constant 0 : i32
        %dma_wait3A_671 = tpu.memref_slice %arg2[%select_n3A_530, %dma_wait3A_670] : memref<6400x128xi32, #tpu.memory_space<hbm>> -> memref<4x128xi32, #tpu.memory_space<hbm>>
        %dma_wait3A_672 = arith.constant 0 : i32
        %dma_wait3A_673 = arith.constant 0 : i32
        %dma_wait3A_674 = tpu.memref_slice %arg5[%run_scoped3A_531, %dma_wait3A_672, %dma_wait3A_673] : memref<2x4x128xi32, #tpu.memory_space<vmem>> -> memref<1x4x128xi32, #tpu.memory_space<vmem>>
        %dma_wait3A_675 = tpu.memref_squeeze %dma_wait3A_674 : memref<1x4x128xi32, #tpu.memory_space<vmem>> -> memref<4x128xi32, #tpu.memory_space<vmem>>
        %dma_wait3A_676 = arith.constant 0 : i32
        %dma_wait3A_677 = tpu.memref_slice %arg2[%select_n3A_530, %dma_wait3A_676] : memref<6400x128xi32, #tpu.memory_space<hbm>> -> memref<4x128xi32, #tpu.memory_space<hbm>>
        tpu.wait_dma2 semaphore(%run_scoped3A_653 : memref<!tpu.dma_semaphore, #tpu.memory_space<semaphore_mem>>) src(%dma_wait3A_677 : memref<4x128xi32, #tpu.memory_space<hbm>>) dst(%dma_wait3A_675 : memref<4x128xi32, #tpu.memory_space<vmem>>)
        tpu.yield
      }) : () -> ()
      %dma_start3A_532 = arith.constant 1 : i32
      %dma_start3A_533 = arith.constant 0 : i32
      %dma_start3A_534 = arith.constant 1 : i32
      %dma_start3A_535 = arith.constant 0 : i32
      %dma_start3A_536 = arith.constant 0 : i32
      %dma_start3A_537 = tpu.memref_slice %arg6[%dma_start3A_534, %dma_start3A_535, %dma_start3A_536] : memref<2x512x64xf32, #tpu.memory_space<vmem>> -> memref<1x128x64xf32, #tpu.memory_space<vmem>>
      %dma_start3A_538 = tpu.memref_squeeze %dma_start3A_537 : memref<1x128x64xf32, #tpu.memory_space<vmem>> -> memref<128x64xf32, #tpu.memory_space<vmem>>
      %dma_start3A_539 = arith.constant 0 : i32
      %dma_start3A_540 = tpu.memref_slice %arg5[%dma_start3A_532, %dma_start3A_533, %dma_start3A_539] : memref<2x4x128xi32, #tpu.memory_space<vmem>> -> memref<1x1x128xi32, #tpu.memory_space<vmem>>
      %dma_start3A_541 = tpu.memref_squeeze %dma_start3A_540 : memref<1x1x128xi32, #tpu.memory_space<vmem>> -> memref<128xi32, #tpu.memory_space<vmem>>
      %dma_start3A_542 = arith.constant 0 : i32
      %dma_start3A_543 = arith.constant 0 : i32
      %dma_start3A_544 = tpu.memref_slice %arg3[%dma_start3A_542, %dma_start3A_543] : memref<1000000x64xf32, #tpu.memory_space<hbm>> -> memref<1000000x64xf32, #tpu.memory_space<hbm>>
      tpu.enqueue_indirect_dma source(%dma_start3A_544 : memref<1000000x64xf32, #tpu.memory_space<hbm>>) target(%dma_start3A_538 : memref<128x64xf32, #tpu.memory_space<vmem>>) offsets(%dma_start3A_541 : memref<128xi32, #tpu.memory_space<vmem>>) semaphore(%arg8 : memref<!tpu.dma_semaphore, #tpu.memory_space<semaphore_mem>>)
      %dma_start3A_545 = arith.constant 1 : i32
      %dma_start3A_546 = arith.constant 1 : i32
      %dma_start3A_547 = arith.constant 1 : i32
      %dma_start3A_548 = arith.constant 128 : i32
      %dma_start3A_549 = arith.constant 0 : i32
      %dma_start3A_550 = tpu.memref_slice %arg6[%dma_start3A_547, %dma_start3A_548, %dma_start3A_549] : memref<2x512x64xf32, #tpu.memory_space<vmem>> -> memref<1x128x64xf32, #tpu.memory_space<vmem>>
      %dma_start3A_551 = tpu.memref_squeeze %dma_start3A_550 : memref<1x128x64xf32, #tpu.memory_space<vmem>> -> memref<128x64xf32, #tpu.memory_space<vmem>>
      %dma_start3A_552 = arith.constant 0 : i32
      %dma_start3A_553 = tpu.memref_slice %arg5[%dma_start3A_545, %dma_start3A_546, %dma_start3A_552] : memref<2x4x128xi32, #tpu.memory_space<vmem>> -> memref<1x1x128xi32, #tpu.memory_space<vmem>>
      %dma_start3A_554 = tpu.memref_squeeze %dma_start3A_553 : memref<1x1x128xi32, #tpu.memory_space<vmem>> -> memref<128xi32, #tpu.memory_space<vmem>>
      %dma_start3A_555 = arith.constant 0 : i32
      %dma_start3A_556 = arith.constant 0 : i32
      %dma_start3A_557 = tpu.memref_slice %arg3[%dma_start3A_555, %dma_start3A_556] : memref<1000000x64xf32, #tpu.memory_space<hbm>> -> memref<1000000x64xf32, #tpu.memory_space<hbm>>
      tpu.enqueue_indirect_dma source(%dma_start3A_557 : memref<1000000x64xf32, #tpu.memory_space<hbm>>) target(%dma_start3A_551 : memref<128x64xf32, #tpu.memory_space<vmem>>) offsets(%dma_start3A_554 : memref<128xi32, #tpu.memory_space<vmem>>) semaphore(%arg8 : memref<!tpu.dma_semaphore, #tpu.memory_space<semaphore_mem>>)
      %dma_start3A_558 = arith.constant 1 : i32
      %dma_start3A_559 = arith.constant 2 : i32
      %dma_start3A_560 = arith.constant 1 : i32
      %dma_start3A_561 = arith.constant 256 : i32
      %dma_start3A_562 = arith.constant 0 : i32
      %dma_start3A_563 = tpu.memref_slice %arg6[%dma_start3A_560, %dma_start3A_561, %dma_start3A_562] : memref<2x512x64xf32, #tpu.memory_space<vmem>> -> memref<1x128x64xf32, #tpu.memory_space<vmem>>
      %dma_start3A_564 = tpu.memref_squeeze %dma_start3A_563 : memref<1x128x64xf32, #tpu.memory_space<vmem>> -> memref<128x64xf32, #tpu.memory_space<vmem>>
      %dma_start3A_565 = arith.constant 0 : i32
      %dma_start3A_566 = tpu.memref_slice %arg5[%dma_start3A_558, %dma_start3A_559, %dma_start3A_565] : memref<2x4x128xi32, #tpu.memory_space<vmem>> -> memref<1x1x128xi32, #tpu.memory_space<vmem>>
      %dma_start3A_567 = tpu.memref_squeeze %dma_start3A_566 : memref<1x1x128xi32, #tpu.memory_space<vmem>> -> memref<128xi32, #tpu.memory_space<vmem>>
      %dma_start3A_568 = arith.constant 0 : i32
      %dma_start3A_569 = arith.constant 0 : i32
      %dma_start3A_570 = tpu.memref_slice %arg3[%dma_start3A_568, %dma_start3A_569] : memref<1000000x64xf32, #tpu.memory_space<hbm>> -> memref<1000000x64xf32, #tpu.memory_space<hbm>>
      tpu.enqueue_indirect_dma source(%dma_start3A_570 : memref<1000000x64xf32, #tpu.memory_space<hbm>>) target(%dma_start3A_564 : memref<128x64xf32, #tpu.memory_space<vmem>>) offsets(%dma_start3A_567 : memref<128xi32, #tpu.memory_space<vmem>>) semaphore(%arg8 : memref<!tpu.dma_semaphore, #tpu.memory_space<semaphore_mem>>)
      %dma_start3A_571 = arith.constant 1 : i32
      %dma_start3A_572 = arith.constant 3 : i32
      %dma_start3A_573 = arith.constant 1 : i32
      %dma_start3A_574 = arith.constant 384 : i32
      %dma_start3A_575 = arith.constant 0 : i32
      %dma_start3A_576 = tpu.memref_slice %arg6[%dma_start3A_573, %dma_start3A_574, %dma_start3A_575] : memref<2x512x64xf32, #tpu.memory_space<vmem>> -> memref<1x128x64xf32, #tpu.memory_space<vmem>>
      %dma_start3A_577 = tpu.memref_squeeze %dma_start3A_576 : memref<1x128x64xf32, #tpu.memory_space<vmem>> -> memref<128x64xf32, #tpu.memory_space<vmem>>
      %dma_start3A_578 = arith.constant 0 : i32
      %dma_start3A_579 = tpu.memref_slice %arg5[%dma_start3A_571, %dma_start3A_572, %dma_start3A_578] : memref<2x4x128xi32, #tpu.memory_space<vmem>> -> memref<1x1x128xi32, #tpu.memory_space<vmem>>
      %dma_start3A_580 = tpu.memref_squeeze %dma_start3A_579 : memref<1x1x128xi32, #tpu.memory_space<vmem>> -> memref<128xi32, #tpu.memory_space<vmem>>
      %dma_start3A_581 = arith.constant 0 : i32
      %dma_start3A_582 = arith.constant 0 : i32
      %dma_start3A_583 = tpu.memref_slice %arg3[%dma_start3A_581, %dma_start3A_582] : memref<1000000x64xf32, #tpu.memory_space<hbm>> -> memref<1000000x64xf32, #tpu.memory_space<hbm>>
      tpu.enqueue_indirect_dma source(%dma_start3A_583 : memref<1000000x64xf32, #tpu.memory_space<hbm>>) target(%dma_start3A_577 : memref<128x64xf32, #tpu.memory_space<vmem>>) offsets(%dma_start3A_580 : memref<128xi32, #tpu.memory_space<vmem>>) semaphore(%arg8 : memref<!tpu.dma_semaphore, #tpu.memory_space<semaphore_mem>>)
      %dma_wait3A_584 = arith.constant 0 : i32
      %dma_wait3A_585 = arith.constant 0 : i32
      %dma_wait3A_586 = arith.constant 0 : i32
      %dma_wait3A_587 = arith.constant 0 : i32
      %dma_wait3A_588 = arith.constant 0 : i32
      %dma_wait3A_589 = tpu.memref_slice %arg6[%dma_wait3A_586, %dma_wait3A_587, %dma_wait3A_588] : memref<2x512x64xf32, #tpu.memory_space<vmem>> -> memref<1x128x64xf32, #tpu.memory_space<vmem>>
      %dma_wait3A_590 = tpu.memref_squeeze %dma_wait3A_589 : memref<1x128x64xf32, #tpu.memory_space<vmem>> -> memref<128x64xf32, #tpu.memory_space<vmem>>
      %dma_wait3A_591 = arith.constant 0 : i32
      %dma_wait3A_592 = tpu.memref_slice %arg5[%dma_wait3A_584, %dma_wait3A_585, %dma_wait3A_591] : memref<2x4x128xi32, #tpu.memory_space<vmem>> -> memref<1x1x128xi32, #tpu.memory_space<vmem>>
      %dma_wait3A_593 = tpu.memref_squeeze %dma_wait3A_592 : memref<1x1x128xi32, #tpu.memory_space<vmem>> -> memref<128xi32, #tpu.memory_space<vmem>>
      %dma_wait3A_594 = arith.constant 0 : i32
      %dma_wait3A_595 = arith.constant 0 : i32
      %dma_wait3A_596 = tpu.memref_slice %arg3[%dma_wait3A_594, %dma_wait3A_595] : memref<1000000x64xf32, #tpu.memory_space<hbm>> -> memref<1000000x64xf32, #tpu.memory_space<hbm>>
      tpu.wait_indirect_dma semaphore(%arg7 : memref<!tpu.dma_semaphore, #tpu.memory_space<semaphore_mem>>) src(%dma_wait3A_596 : memref<1000000x64xf32, #tpu.memory_space<hbm>>) dst(%dma_wait3A_590 : memref<128x64xf32, #tpu.memory_space<vmem>>)
      %dma_wait3A_597 = arith.constant 0 : i32
      %dma_wait3A_598 = arith.constant 1 : i32
      %dma_wait3A_599 = arith.constant 0 : i32
      %dma_wait3A_600 = arith.constant 128 : i32
      %dma_wait3A_601 = arith.constant 0 : i32
      %dma_wait3A_602 = tpu.memref_slice %arg6[%dma_wait3A_599, %dma_wait3A_600, %dma_wait3A_601] : memref<2x512x64xf32, #tpu.memory_space<vmem>> -> memref<1x128x64xf32, #tpu.memory_space<vmem>>
      %dma_wait3A_603 = tpu.memref_squeeze %dma_wait3A_602 : memref<1x128x64xf32, #tpu.memory_space<vmem>> -> memref<128x64xf32, #tpu.memory_space<vmem>>
      %dma_wait3A_604 = arith.constant 0 : i32
      %dma_wait3A_605 = tpu.memref_slice %arg5[%dma_wait3A_597, %dma_wait3A_598, %dma_wait3A_604] : memref<2x4x128xi32, #tpu.memory_space<vmem>> -> memref<1x1x128xi32, #tpu.memory_space<vmem>>
      %dma_wait3A_606 = tpu.memref_squeeze %dma_wait3A_605 : memref<1x1x128xi32, #tpu.memory_space<vmem>> -> memref<128xi32, #tpu.memory_space<vmem>>
      %dma_wait3A_607 = arith.constant 0 : i32
      %dma_wait3A_608 = arith.constant 0 : i32
      %dma_wait3A_609 = tpu.memref_slice %arg3[%dma_wait3A_607, %dma_wait3A_608] : memref<1000000x64xf32, #tpu.memory_space<hbm>> -> memref<1000000x64xf32, #tpu.memory_space<hbm>>
      tpu.wait_indirect_dma semaphore(%arg7 : memref<!tpu.dma_semaphore, #tpu.memory_space<semaphore_mem>>) src(%dma_wait3A_609 : memref<1000000x64xf32, #tpu.memory_space<hbm>>) dst(%dma_wait3A_603 : memref<128x64xf32, #tpu.memory_space<vmem>>)
      %dma_wait3A_610 = arith.constant 0 : i32
      %dma_wait3A_611 = arith.constant 2 : i32
      %dma_wait3A_612 = arith.constant 0 : i32
      %dma_wait3A_613 = arith.constant 256 : i32
      %dma_wait3A_614 = arith.constant 0 : i32
      %dma_wait3A_615 = tpu.memref_slice %arg6[%dma_wait3A_612, %dma_wait3A_613, %dma_wait3A_614] : memref<2x512x64xf32, #tpu.memory_space<vmem>> -> memref<1x128x64xf32, #tpu.memory_space<vmem>>
      %dma_wait3A_616 = tpu.memref_squeeze %dma_wait3A_615 : memref<1x128x64xf32, #tpu.memory_space<vmem>> -> memref<128x64xf32, #tpu.memory_space<vmem>>
      %dma_wait3A_617 = arith.constant 0 : i32
      %dma_wait3A_618 = tpu.memref_slice %arg5[%dma_wait3A_610, %dma_wait3A_611, %dma_wait3A_617] : memref<2x4x128xi32, #tpu.memory_space<vmem>> -> memref<1x1x128xi32, #tpu.memory_space<vmem>>
      %dma_wait3A_619 = tpu.memref_squeeze %dma_wait3A_618 : memref<1x1x128xi32, #tpu.memory_space<vmem>> -> memref<128xi32, #tpu.memory_space<vmem>>
      %dma_wait3A_620 = arith.constant 0 : i32
      %dma_wait3A_621 = arith.constant 0 : i32
      %dma_wait3A_622 = tpu.memref_slice %arg3[%dma_wait3A_620, %dma_wait3A_621] : memref<1000000x64xf32, #tpu.memory_space<hbm>> -> memref<1000000x64xf32, #tpu.memory_space<hbm>>
      tpu.wait_indirect_dma semaphore(%arg7 : memref<!tpu.dma_semaphore, #tpu.memory_space<semaphore_mem>>) src(%dma_wait3A_622 : memref<1000000x64xf32, #tpu.memory_space<hbm>>) dst(%dma_wait3A_616 : memref<128x64xf32, #tpu.memory_space<vmem>>)
      %dma_wait3A_623 = arith.constant 0 : i32
      %dma_wait3A_624 = arith.constant 3 : i32
      %dma_wait3A_625 = arith.constant 0 : i32
      %dma_wait3A_626 = arith.constant 384 : i32
      %dma_wait3A_627 = arith.constant 0 : i32
      %dma_wait3A_628 = tpu.memref_slice %arg6[%dma_wait3A_625, %dma_wait3A_626, %dma_wait3A_627] : memref<2x512x64xf32, #tpu.memory_space<vmem>> -> memref<1x128x64xf32, #tpu.memory_space<vmem>>
      %dma_wait3A_629 = tpu.memref_squeeze %dma_wait3A_628 : memref<1x128x64xf32, #tpu.memory_space<vmem>> -> memref<128x64xf32, #tpu.memory_space<vmem>>
      %dma_wait3A_630 = arith.constant 0 : i32
      %dma_wait3A_631 = tpu.memref_slice %arg5[%dma_wait3A_623, %dma_wait3A_624, %dma_wait3A_630] : memref<2x4x128xi32, #tpu.memory_space<vmem>> -> memref<1x1x128xi32, #tpu.memory_space<vmem>>
      %dma_wait3A_632 = tpu.memref_squeeze %dma_wait3A_631 : memref<1x1x128xi32, #tpu.memory_space<vmem>> -> memref<128xi32, #tpu.memory_space<vmem>>
      %dma_wait3A_633 = arith.constant 0 : i32
      %dma_wait3A_634 = arith.constant 0 : i32
      %dma_wait3A_635 = tpu.memref_slice %arg3[%dma_wait3A_633, %dma_wait3A_634] : memref<1000000x64xf32, #tpu.memory_space<hbm>> -> memref<1000000x64xf32, #tpu.memory_space<hbm>>
      tpu.wait_indirect_dma semaphore(%arg7 : memref<!tpu.dma_semaphore, #tpu.memory_space<semaphore_mem>>) src(%dma_wait3A_635 : memref<1000000x64xf32, #tpu.memory_space<hbm>>) dst(%dma_wait3A_629 : memref<128x64xf32, #tpu.memory_space<vmem>>)
      %mul3A_636 = arith.constant 512 : i32
      %mul3A_637 = arith.muli %add3A_488, %mul3A_636 : i32
      %add3A_638 = arith.addi %mul3A_2, %mul3A_637 : i32
      %dma_start3A_639 = arith.constant 0 : i32
      %dma_start3A_640 = arith.constant 0 : i32
      %dma_start3A_641 = arith.constant 0 : i32
      %dma_start3A_642 = tpu.memref_slice %arg6[%dma_start3A_639, %dma_start3A_640, %dma_start3A_641] : memref<2x512x64xf32, #tpu.memory_space<vmem>> -> memref<1x512x64xf32, #tpu.memory_space<vmem>>
      %dma_start3A_643 = tpu.memref_squeeze %dma_start3A_642 : memref<1x512x64xf32, #tpu.memory_space<vmem>> -> memref<512x64xf32, #tpu.memory_space<vmem>>
      %dma_start3A_644 = arith.constant 0 : i32
      %dma_start3A_645 = tpu.memref_slice %arg4[%add3A_638, %dma_start3A_644] : memref<819200x64xf32, #tpu.memory_space<hbm>> -> memref<512x64xf32, #tpu.memory_space<hbm>>
      %dma_start3A_646 = arith.constant 0 : i32
      %dma_start3A_647 = tpu.memref_slice %arg4[%add3A_638, %dma_start3A_646] : memref<819200x64xf32, #tpu.memory_space<hbm>> -> memref<512x64xf32, #tpu.memory_space<hbm>>
      %dma_start3A_648 = arith.constant 0 : i32
      %dma_start3A_649 = arith.constant 0 : i32
      %dma_start3A_650 = tpu.memref_slice %arg6[%dma_start3A_639, %dma_start3A_648, %dma_start3A_649] : memref<2x512x64xf32, #tpu.memory_space<vmem>> -> memref<1x512x64xf32, #tpu.memory_space<vmem>>
      %dma_start3A_651 = tpu.memref_squeeze %dma_start3A_650 : memref<1x512x64xf32, #tpu.memory_space<vmem>> -> memref<512x64xf32, #tpu.memory_space<vmem>>
      tpu.enqueue_dma source(%dma_start3A_651 : memref<512x64xf32, #tpu.memory_space<vmem>>) target(%dma_start3A_647 : memref<512x64xf32, #tpu.memory_space<hbm>>) target_semaphore(%arg9 : memref<!tpu.dma_semaphore, #tpu.memory_space<semaphore_mem>>)
      %scan3A_652 = arith.constant 0 : i32
      scf.yield %scan3A_652 : i32
    }
    %scan3A_222 = arith.constant 24 : i32
    %dma_wait3A_223 = arith.constant 1 : i32
    %dma_wait3A_224 = arith.constant 0 : i32
    %dma_wait3A_225 = arith.constant 1 : i32
    %dma_wait3A_226 = arith.constant 0 : i32
    %dma_wait3A_227 = arith.constant 0 : i32
    %dma_wait3A_228 = tpu.memref_slice %arg6[%dma_wait3A_225, %dma_wait3A_226, %dma_wait3A_227] : memref<2x512x64xf32, #tpu.memory_space<vmem>> -> memref<1x128x64xf32, #tpu.memory_space<vmem>>
    %dma_wait3A_229 = tpu.memref_squeeze %dma_wait3A_228 : memref<1x128x64xf32, #tpu.memory_space<vmem>> -> memref<128x64xf32, #tpu.memory_space<vmem>>
    %dma_wait3A_230 = arith.constant 0 : i32
    %dma_wait3A_231 = tpu.memref_slice %arg5[%dma_wait3A_223, %dma_wait3A_224, %dma_wait3A_230] : memref<2x4x128xi32, #tpu.memory_space<vmem>> -> memref<1x1x128xi32, #tpu.memory_space<vmem>>
    %dma_wait3A_232 = tpu.memref_squeeze %dma_wait3A_231 : memref<1x1x128xi32, #tpu.memory_space<vmem>> -> memref<128xi32, #tpu.memory_space<vmem>>
    %dma_wait3A_233 = arith.constant 0 : i32
    %dma_wait3A_234 = arith.constant 0 : i32
    %dma_wait3A_235 = tpu.memref_slice %arg3[%dma_wait3A_233, %dma_wait3A_234] : memref<1000000x64xf32, #tpu.memory_space<hbm>> -> memref<1000000x64xf32, #tpu.memory_space<hbm>>
    tpu.wait_indirect_dma semaphore(%arg8 : memref<!tpu.dma_semaphore, #tpu.memory_space<semaphore_mem>>) src(%dma_wait3A_235 : memref<1000000x64xf32, #tpu.memory_space<hbm>>) dst(%dma_wait3A_229 : memref<128x64xf32, #tpu.memory_space<vmem>>)
    %dma_wait3A_236 = arith.constant 1 : i32
    %dma_wait3A_237 = arith.constant 1 : i32
    %dma_wait3A_238 = arith.constant 1 : i32
    %dma_wait3A_239 = arith.constant 128 : i32
    %dma_wait3A_240 = arith.constant 0 : i32
    %dma_wait3A_241 = tpu.memref_slice %arg6[%dma_wait3A_238, %dma_wait3A_239, %dma_wait3A_240] : memref<2x512x64xf32, #tpu.memory_space<vmem>> -> memref<1x128x64xf32, #tpu.memory_space<vmem>>
    %dma_wait3A_242 = tpu.memref_squeeze %dma_wait3A_241 : memref<1x128x64xf32, #tpu.memory_space<vmem>> -> memref<128x64xf32, #tpu.memory_space<vmem>>
    %dma_wait3A_243 = arith.constant 0 : i32
    %dma_wait3A_244 = tpu.memref_slice %arg5[%dma_wait3A_236, %dma_wait3A_237, %dma_wait3A_243] : memref<2x4x128xi32, #tpu.memory_space<vmem>> -> memref<1x1x128xi32, #tpu.memory_space<vmem>>
    %dma_wait3A_245 = tpu.memref_squeeze %dma_wait3A_244 : memref<1x1x128xi32, #tpu.memory_space<vmem>> -> memref<128xi32, #tpu.memory_space<vmem>>
    %dma_wait3A_246 = arith.constant 0 : i32
    %dma_wait3A_247 = arith.constant 0 : i32
    %dma_wait3A_248 = tpu.memref_slice %arg3[%dma_wait3A_246, %dma_wait3A_247] : memref<1000000x64xf32, #tpu.memory_space<hbm>> -> memref<1000000x64xf32, #tpu.memory_space<hbm>>
    tpu.wait_indirect_dma semaphore(%arg8 : memref<!tpu.dma_semaphore, #tpu.memory_space<semaphore_mem>>) src(%dma_wait3A_248 : memref<1000000x64xf32, #tpu.memory_space<hbm>>) dst(%dma_wait3A_242 : memref<128x64xf32, #tpu.memory_space<vmem>>)
    %dma_wait3A_249 = arith.constant 1 : i32
    %dma_wait3A_250 = arith.constant 2 : i32
    %dma_wait3A_251 = arith.constant 1 : i32
    %dma_wait3A_252 = arith.constant 256 : i32
    %dma_wait3A_253 = arith.constant 0 : i32
    %dma_wait3A_254 = tpu.memref_slice %arg6[%dma_wait3A_251, %dma_wait3A_252, %dma_wait3A_253] : memref<2x512x64xf32, #tpu.memory_space<vmem>> -> memref<1x128x64xf32, #tpu.memory_space<vmem>>
    %dma_wait3A_255 = tpu.memref_squeeze %dma_wait3A_254 : memref<1x128x64xf32, #tpu.memory_space<vmem>> -> memref<128x64xf32, #tpu.memory_space<vmem>>
    %dma_wait3A_256 = arith.constant 0 : i32
    %dma_wait3A_257 = tpu.memref_slice %arg5[%dma_wait3A_249, %dma_wait3A_250, %dma_wait3A_256] : memref<2x4x128xi32, #tpu.memory_space<vmem>> -> memref<1x1x128xi32, #tpu.memory_space<vmem>>
    %dma_wait3A_258 = tpu.memref_squeeze %dma_wait3A_257 : memref<1x1x128xi32, #tpu.memory_space<vmem>> -> memref<128xi32, #tpu.memory_space<vmem>>
    %dma_wait3A_259 = arith.constant 0 : i32
    %dma_wait3A_260 = arith.constant 0 : i32
    %dma_wait3A_261 = tpu.memref_slice %arg3[%dma_wait3A_259, %dma_wait3A_260] : memref<1000000x64xf32, #tpu.memory_space<hbm>> -> memref<1000000x64xf32, #tpu.memory_space<hbm>>
    tpu.wait_indirect_dma semaphore(%arg8 : memref<!tpu.dma_semaphore, #tpu.memory_space<semaphore_mem>>) src(%dma_wait3A_261 : memref<1000000x64xf32, #tpu.memory_space<hbm>>) dst(%dma_wait3A_255 : memref<128x64xf32, #tpu.memory_space<vmem>>)
    %dma_wait3A_262 = arith.constant 1 : i32
    %dma_wait3A_263 = arith.constant 3 : i32
    %dma_wait3A_264 = arith.constant 1 : i32
    %dma_wait3A_265 = arith.constant 384 : i32
    %dma_wait3A_266 = arith.constant 0 : i32
    %dma_wait3A_267 = tpu.memref_slice %arg6[%dma_wait3A_264, %dma_wait3A_265, %dma_wait3A_266] : memref<2x512x64xf32, #tpu.memory_space<vmem>> -> memref<1x128x64xf32, #tpu.memory_space<vmem>>
    %dma_wait3A_268 = tpu.memref_squeeze %dma_wait3A_267 : memref<1x128x64xf32, #tpu.memory_space<vmem>> -> memref<128x64xf32, #tpu.memory_space<vmem>>
    %dma_wait3A_269 = arith.constant 0 : i32
    %dma_wait3A_270 = tpu.memref_slice %arg5[%dma_wait3A_262, %dma_wait3A_263, %dma_wait3A_269] : memref<2x4x128xi32, #tpu.memory_space<vmem>> -> memref<1x1x128xi32, #tpu.memory_space<vmem>>
    %dma_wait3A_271 = tpu.memref_squeeze %dma_wait3A_270 : memref<1x1x128xi32, #tpu.memory_space<vmem>> -> memref<128xi32, #tpu.memory_space<vmem>>
    %dma_wait3A_272 = arith.constant 0 : i32
    %dma_wait3A_273 = arith.constant 0 : i32
    %dma_wait3A_274 = tpu.memref_slice %arg3[%dma_wait3A_272, %dma_wait3A_273] : memref<1000000x64xf32, #tpu.memory_space<hbm>> -> memref<1000000x64xf32, #tpu.memory_space<hbm>>
    tpu.wait_indirect_dma semaphore(%arg8 : memref<!tpu.dma_semaphore, #tpu.memory_space<semaphore_mem>>) src(%dma_wait3A_274 : memref<1000000x64xf32, #tpu.memory_space<hbm>>) dst(%dma_wait3A_268 : memref<128x64xf32, #tpu.memory_space<vmem>>)
    %add3A_275 = arith.constant 25088 : i32
    %add3A_276 = arith.addi %mul3A_2, %add3A_275 : i32
    %dma_start3A_277 = arith.constant 1 : i32
    %dma_start3A_278 = arith.constant 0 : i32
    %dma_start3A_279 = arith.constant 0 : i32
    %dma_start3A_280 = tpu.memref_slice %arg6[%dma_start3A_277, %dma_start3A_278, %dma_start3A_279] : memref<2x512x64xf32, #tpu.memory_space<vmem>> -> memref<1x512x64xf32, #tpu.memory_space<vmem>>
    %dma_start3A_281 = tpu.memref_squeeze %dma_start3A_280 : memref<1x512x64xf32, #tpu.memory_space<vmem>> -> memref<512x64xf32, #tpu.memory_space<vmem>>
    %dma_start3A_282 = arith.constant 0 : i32
    %dma_start3A_283 = tpu.memref_slice %arg4[%add3A_276, %dma_start3A_282] : memref<819200x64xf32, #tpu.memory_space<hbm>> -> memref<512x64xf32, #tpu.memory_space<hbm>>
    %dma_start3A_284 = arith.constant 0 : i32
    %dma_start3A_285 = tpu.memref_slice %arg4[%add3A_276, %dma_start3A_284] : memref<819200x64xf32, #tpu.memory_space<hbm>> -> memref<512x64xf32, #tpu.memory_space<hbm>>
    %dma_start3A_286 = arith.constant 0 : i32
    %dma_start3A_287 = arith.constant 0 : i32
    %dma_start3A_288 = tpu.memref_slice %arg6[%dma_start3A_277, %dma_start3A_286, %dma_start3A_287] : memref<2x512x64xf32, #tpu.memory_space<vmem>> -> memref<1x512x64xf32, #tpu.memory_space<vmem>>
    %dma_start3A_289 = tpu.memref_squeeze %dma_start3A_288 : memref<1x512x64xf32, #tpu.memory_space<vmem>> -> memref<512x64xf32, #tpu.memory_space<vmem>>
    tpu.enqueue_dma source(%dma_start3A_289 : memref<512x64xf32, #tpu.memory_space<vmem>>) target(%dma_start3A_285 : memref<512x64xf32, #tpu.memory_space<hbm>>) target_semaphore(%arg10 : memref<!tpu.dma_semaphore, #tpu.memory_space<semaphore_mem>>)
    %dma_wait3A_290 = arith.constant 0 : i32
    %dma_wait3A_291 = arith.constant 0 : i32
    %dma_wait3A_292 = arith.constant 0 : i32
    %dma_wait3A_293 = tpu.memref_slice %arg6[%dma_wait3A_290, %dma_wait3A_291, %dma_wait3A_292] : memref<2x512x64xf32, #tpu.memory_space<vmem>> -> memref<1x512x64xf32, #tpu.memory_space<vmem>>
    %dma_wait3A_294 = tpu.memref_squeeze %dma_wait3A_293 : memref<1x512x64xf32, #tpu.memory_space<vmem>> -> memref<512x64xf32, #tpu.memory_space<vmem>>
    %dma_wait3A_295 = arith.constant 0 : i32
    %dma_wait3A_296 = tpu.memref_slice %arg4[%mul3A_2, %dma_wait3A_295] : memref<819200x64xf32, #tpu.memory_space<hbm>> -> memref<512x64xf32, #tpu.memory_space<hbm>>
    %dma_wait3A_297 = arith.constant 0 : i32
    %dma_wait3A_298 = tpu.memref_slice %arg4[%mul3A_2, %dma_wait3A_297] : memref<819200x64xf32, #tpu.memory_space<hbm>> -> memref<512x64xf32, #tpu.memory_space<hbm>>
    %dma_wait3A_299 = arith.constant 0 : i32
    %dma_wait3A_300 = arith.constant 0 : i32
    %dma_wait3A_301 = tpu.memref_slice %arg6[%dma_wait3A_290, %dma_wait3A_299, %dma_wait3A_300] : memref<2x512x64xf32, #tpu.memory_space<vmem>> -> memref<1x512x64xf32, #tpu.memory_space<vmem>>
    %dma_wait3A_302 = tpu.memref_squeeze %dma_wait3A_301 : memref<1x512x64xf32, #tpu.memory_space<vmem>> -> memref<512x64xf32, #tpu.memory_space<vmem>>
    tpu.wait_dma2 semaphore(%arg9 : memref<!tpu.dma_semaphore, #tpu.memory_space<semaphore_mem>>) src(%dma_wait3A_302 : memref<512x64xf32, #tpu.memory_space<vmem>>) dst(%dma_wait3A_298 : memref<512x64xf32, #tpu.memory_space<hbm>>)
    %dma_wait3A_303 = arith.constant 1 : i32
    %dma_wait3A_304 = arith.constant 0 : i32
    %dma_wait3A_305 = arith.constant 0 : i32
    %dma_wait3A_306 = tpu.memref_slice %arg6[%dma_wait3A_303, %dma_wait3A_304, %dma_wait3A_305] : memref<2x512x64xf32, #tpu.memory_space<vmem>> -> memref<1x512x64xf32, #tpu.memory_space<vmem>>
    %dma_wait3A_307 = tpu.memref_squeeze %dma_wait3A_306 : memref<1x512x64xf32, #tpu.memory_space<vmem>> -> memref<512x64xf32, #tpu.memory_space<vmem>>
    %dma_wait3A_308 = arith.constant 0 : i32
    %dma_wait3A_309 = tpu.memref_slice %arg4[%mul3A_2, %dma_wait3A_308] : memref<819200x64xf32, #tpu.memory_space<hbm>> -> memref<512x64xf32, #tpu.memory_space<hbm>>
    %dma_wait3A_310 = arith.constant 0 : i32
    %dma_wait3A_311 = tpu.memref_slice %arg4[%mul3A_2, %dma_wait3A_310] : memref<819200x64xf32, #tpu.memory_space<hbm>> -> memref<512x64xf32, #tpu.memory_space<hbm>>
    %dma_wait3A_312 = arith.constant 0 : i32
    %dma_wait3A_313 = arith.constant 0 : i32
    %dma_wait3A_314 = tpu.memref_slice %arg6[%dma_wait3A_303, %dma_wait3A_312, %dma_wait3A_313] : memref<2x512x64xf32, #tpu.memory_space<vmem>> -> memref<1x512x64xf32, #tpu.memory_space<vmem>>
    %dma_wait3A_315 = tpu.memref_squeeze %dma_wait3A_314 : memref<1x512x64xf32, #tpu.memory_space<vmem>> -> memref<512x64xf32, #tpu.memory_space<vmem>>
    tpu.wait_dma2 semaphore(%arg10 : memref<!tpu.dma_semaphore, #tpu.memory_space<semaphore_mem>>) src(%dma_wait3A_315 : memref<512x64xf32, #tpu.memory_space<vmem>>) dst(%dma_wait3A_311 : memref<512x64xf32, #tpu.memory_space<hbm>>)
    return
  }
}

</mosaic_0001>

<sc_bundles>
// kernel: kernel.3.cloned.1.call-start
scs
__scs_entry_jumppad:
0x0: {  	(pc) =	sbr.rel $0x88, $3  }
0x1: {  	(tag) =	ssettag $0x0;
	lr =	simm.s32 $0x1  }
0x2: {  	[smem:$0x3F9F] =	sst lr;
	_ =	strace $0xD0000000  }
0x3: {  	_ = 	snop  }
0x4: {  	_ = 	snop  }
0x5: {  	_ = 	snop  }
0x6: {  	_ = 	snop  }
0x7: {  	_ = 	snop  }
__scs_overlays_trampoline_lowered:
0x8: {  	[smem:$0x3FAE] =	sst s0  }
0x9: {  	[smem:$0x3FAF] =	sst s1  }
0xa: {  	[smem:$0x3FB0] =	sst s2  }
0xb: {  	[smem:$0x3FB1] =	sst s3  }
0xc: {  	[smem:$0x3FB2] =	sst s4  }
0xd: {  	[smem:$0x3FB3] =	sst s5  }
0xe: {  	[smem:$0x3FB4] =	sst s6  }
0xf: {  	[smem:$0x3FB5] =	sst s7  }
0x10: {  	[smem:$0x3FB6] =	sst s8  }
0x11: {  	[smem:$0x3FB7] =	sst s9;
	s0 =	simm.s32 @!p0 $0x0  }
0x12: {  	s1 =	sld [smem:$0x3F9D];
	s0 =	simm.s32 @p0 $0x1  }
0x13: {  	[smem:$0x3FB8] =	sst s0;
	s0 =	simm.s32 @!p1 $0x0  }
0x14: {  	s2 =	sld [smem:$0x3F9C];
	s0 =	simm.s32 @p1 $0x1  }
0x15: {  	[smem:$0x3FB9] =	sst s0;
	s0 =	simm.s32 @!p2 $0x0  }
0x16: {  	s3 =	sld [smem:$0x3FDB];
	s0 =	simm.s32 @p2 $0x1  }
0x17: {  	s4 =	simm.s32 $0x1BF5;
	[smem:$0x3FBB] =	sst s0  }
0x18: {  	s0 =	sld [smem:$0x3F9E];
	_ =	swait.ge [sflag:s4], $0x0  }
0x19: {  	s7 =	sld [smem:$0x3F9F]  }
0x1a: {  	s8 =	sadd.s32 $0xFFFFE003, lr  }
0x1b: {  	s9 =	sadd.s32 $0xFFFFFEF7, lr;
	s5 =	simm.s32 $0xFFFFFFFF;
	p2 =	slt.u32 s8, $0xFFFFF086  }
0x1c: {  	p1 =	slt.u32 s9, $0xF7A;
	s5 =	simm.s32 @!p2 $0x0  }
0x1d: {  	s5 =	simm.s32 @p1 $0x1;
	p0 =	seq.s32 s7, s2  }
0x1e: {  	s7 =	smul.u32 @!p0 $0xF7A, s2;
	p2 =	seq.s32 @!p0 s5, $0x0  }
0x1f: {  	s9 =	smul.u32 $0xF7A, s1;
	s8 =	simm.s32 @!p0 $0x1BF5;
	p2 =	por !p2, p0  }
0x20: {  	[sflag:s8] =	ssyncset.s32 @!p0 $0xFFFFF086;
	s6 =	sadd.s32 @!p0 s3, s7;
	s7 =	simm.s32 @!p0 $0x108  }
0x21: {  	s3 =	sadd.s32 s3, s9;
	s6 =	sadd.s32 @!p0 $0x88, s6;
	s7 =	simm.s32 @p2 $0x1082  }
0x22: {  	[simem:s7], [sflag:s8] =	dma.local @!p0 [hbm:s6], $0xF7A  }
0x23: {  	s9 =	sor.u32 $0xD0000000, s2;
	s6 =	simm.s32 $0x108;
	_ =	swait.ge @!p0 [sflag:s8], $0x0  }
0x24: {  	s3 =	sadd.s32 $0x88, s3;
	s6 =	simm.s32 @!p1 $0x1082;
	[sflag:s4] =	ssyncset.s32 $0xFFFFF086  }
0x25: {  	[simem:s6], [sflag:s4] =	dma.local [hbm:s3], $0xF7A  }
0x26: {  	[smem:$0x3F9F] =	sst s1;
	(tag) =	ssettag s2;
	_ =	strace s9  }
0x27: {  	s1 =	sld [smem:$0x3FAF]  }
0x28: {  	s2 =	sld [smem:$0x3FB0]  }
0x29: {  	s4 =	sld [smem:$0x3FB2]  }
0x2a: {  	p0 =	seq.s32 s5, $0x0;
	s5 =	sld [smem:$0x3FB3]  }
0x2b: {  	s6 =	sld [smem:$0x3FB4]  }
0x2c: {  	s7 =	sld [smem:$0x3FB5]  }
0x2d: {  	s3 =	simm.s32 $0x108;
	s8 =	sld [smem:$0x3FB6]  }
0x2e: {  	s3 =	simm.s32 @!p0 $0x1082;
	s9 =	sld [smem:$0x3FB7]  }
0x2f: {  	lr =	sadd.s32 s0, s3;
	s0 =	sld [smem:$0x3FAE]  }
0x30: {  	s3 =	sld [smem:$0x3FB1]  }
0x31: {  	[smem:$0x3FBA] =	sst s10  }
0x32: {  	s10 =	sld [smem:$0x3FB8];
	_ =	sdelay $0x3  }
0x33: {  	p0 =	seq.s32 s10, $0x1;
	s10 =	sld [smem:$0x3FBA];
	_ =	sdelay $0x3  }
0x34: {  	[smem:$0x3FBA] =	sst s10  }
0x35: {  	s10 =	sld [smem:$0x3FB9];
	_ =	sdelay $0x3  }
0x36: {  	p1 =	seq.s32 s10, $0x1;
	s10 =	sld [smem:$0x3FBA];
	_ =	sdelay $0x3  }
0x37: {  	[smem:$0x3FBA] =	sst s10  }
0x38: {  	s10 =	sld [smem:$0x3FBB]  }
0x39: {  	_ = 	snop;
	(pc) =	sbr.ind lr, $3  }
0x3a: {  	_ = 	snop  }
0x3b: {  	_ = 	snop  }
0x3c: {  	p2 =	seq.s32 s10, $0x1;
	s10 =	sld [smem:$0x3FBA]  }
0x3d: {  	_ =	shalt  }
0x3e: {  	_ =	shalt  }
0x3f: {  	_ =	shalt  }
0x40: {  	_ =	shalt  }
0x41: {  	_ =	shalt  }
0x42: {  	_ =	shalt  }
0x43: {  	_ =	shalt  }
0x44: {  	_ =	shalt  }
0x45: {  	_ =	shalt  }
0x46: {  	_ =	shalt  }
0x47: {  	_ =	shalt  }
0x48: {  	_ =	shalt  }
0x49: {  	_ =	shalt  }
0x4a: {  	_ =	shalt  }
0x4b: {  	_ =	shalt  }
0x4c: {  	_ =	shalt  }
0x4d: {  	_ =	shalt  }
0x4e: {  	_ =	shalt  }
0x4f: {  	_ =	shalt  }
0x50: {  	_ =	shalt  }
0x51: {  	_ =	shalt  }
0x52: {  	_ =	shalt  }
0x53: {  	_ =	shalt  }
0x54: {  	_ =	shalt  }
0x55: {  	_ =	shalt  }
0x56: {  	_ =	shalt  }
0x57: {  	_ =	shalt  }
0x58: {  	_ =	shalt  }
0x59: {  	_ =	shalt  }
0x5a: {  	_ =	shalt  }
0x5b: {  	_ =	shalt  }
0x5c: {  	_ =	shalt  }
0x5d: {  	_ =	shalt  }
0x5e: {  	_ =	shalt  }
0x5f: {  	_ =	shalt  }
0x60: {  	_ =	shalt  }
0x61: {  	_ =	shalt  }
0x62: {  	_ =	shalt  }
0x63: {  	_ =	shalt  }
0x64: {  	_ =	shalt  }
0x65: {  	_ =	shalt  }
0x66: {  	_ =	shalt  }
0x67: {  	_ =	shalt  }
0x68: {  	_ =	shalt  }
0x69: {  	_ =	shalt  }
0x6a: {  	_ =	shalt  }
0x6b: {  	_ =	shalt  }
0x6c: {  	_ =	shalt  }
0x6d: {  	_ =	shalt  }
0x6e: {  	_ =	shalt  }
0x6f: {  	_ =	shalt  }
0x70: {  	_ =	shalt  }
0x71: {  	_ =	shalt  }
0x72: {  	_ =	shalt  }
0x73: {  	_ =	shalt  }
0x74: {  	_ =	shalt  }
0x75: {  	_ =	shalt  }
0x76: {  	_ =	shalt  }
0x77: {  	_ =	shalt  }
0x78: {  	_ =	shalt  }
0x79: {  	_ =	shalt  }
0x7a: {  	_ =	shalt  }
0x7b: {  	_ =	shalt  }
0x7c: {  	_ =	shalt  }
0x7d: {  	_ =	shalt  }
0x7e: {  	_ =	shalt  }
0x7f: {  	_ =	shalt  }
0x80: {  	_ =	shalt  }
0x81: {  	_ =	shalt  }
0x82: {  	_ =	shalt  }
0x83: {  	_ =	shalt  }
0x84: {  	_ =	shalt  }
0x85: {  	_ =	shalt  }
0x86: {  	_ =	shalt  }
0x87: {  	_ =	shalt  }
.Lfunc_end0:
.L_simem_size_0:
called_computation.1_lowered:
.L_overlay_start_0:
0x88: {  	s2 =	sld [smem:$0x3FD9]  }
0x89: {  	s3 =	sld [smem:$0x3FFE];
	_ =	sdelay $0x1  }
0x8a: {  	s1 =	srdreg.scid  }
0x8b: {  	s0 =	sand.u32 $0x1, s1  }
0x8c: {  	s17 =	sshll.u32 s0, $0xA;
	s2 =	sadd.s32 s3, s2  }
0x8d: {  	s2 =	sadd.s32 s2, s17  }
0x8e: {  	[smem:$0x3FC6] =	sst s2  }
0x8f: {  	_ = 	snop  }
0x90: {  	s2 =	sld [smem:$0x3FD0];
	(tm) =	ssettm $0x1  }
0x91: {  	s18 =	sld [smem:$0x3FFB];
	_ =	sdelay $0x3  }
0x92: {  	_ =	strace s18  }
0x93: {  	s3 =	sld [smem:$0x3FFC];
	_ =	sdelay $0x3  }
0x94: {  	_ =	strace s3  }
0x95: {  	s3 =	sld [smem:$0x3FFD];
	_ =	sdelay $0x3  }
0x96: {  	_ =	strace s3  }
0x97: {  	_ =	strace $0x8FFFFFFF  }
0x98: {  	s19 =	sld [smem:$0x3FDB];
	_ =	sdelay $0x1  }
0x99: {  	s4 =	simm.s32 $_scs_section_size  }
0x9a: {  	s5 =	simm.s32 $_size__tile_overlayer_lowered;
	s6 =	simm.s32 $_tile_overlayer_lowered  }
0x9b: {  	s22 =	simm.s32 $0x1BFF;
	s21 =	sshll.u32 s6, $0x1;
	s3 =	sadd.s32 s4, s19  }
0x9c: {  	s7 =	simm.s32 $0x0;
	s20 =	sshll.u32 s5, $0x1;
	s5 =	sadd.s32 s21, s3  }
0x9d: {  	[timem:s7], [sflag:s22] =	dma.local [hbm:s5], s20  }
0x9e: {  	_ =	swait.ge [sflag:s22], s20  }
0x9f: {  	s4 =	ssub.s32 $0x0, s20;
	[sflag:s22] =	ssyncset.done $0x0  }
0xa0: {  	[sflag:s22] =	ssyncadd.s32 s4;
	_ =	sdelay $0x1  }
0xa1: {  	s23 =	simm.s32 $0x1B8B  }
0xa2: {  	_ =	swait.ge [sflag:s23], $0x1  }
0xa3: {  	[sflag:s23] =	ssyncset.done $0x0  }
0xa4: {  	s25 =	simm.s32 $0x1B8E;
	s24 =	sld [smem:$0x3FFE];
	[sflag:s23] =	ssyncadd.s32 $0xFFFFFFFF  }
0xa5: {  	s26 =	simm.s32 $execute0_lowered;
	[smem:$0x3FD2] =	sst s25  }
0xa6: {  	s5 =	sshll.u32 s26, $0x1;
	_ =	strace $0x80000046;
	[dreg:$0x1] =	wrdreg $0xFFFFFFFF  }
0xa7: {  	s28 =	simm.s32 $_size_execute0_lowered;
	s3 =	sadd.s32 s3, s5;
	[dreg:$0x0] =	wrdreg $0x0  }
0xa8: {  	s5 =	sshll.u32 s28, $0x1;
	[dreg:$0x2] =	wrdreg s3  }
0xa9: {  	[dreg:$0x3] =	wrdreg s5  }
0xaa: {  	[dreg:$0x4] =	wrdreg $0xC0  }
0xab: {  	_ =	task [dreg:s7], $0x5FFFF  }
0xac: {  	[dreg:$0x1] =	wrdreg $0xFFFFFFFF  }
0xad: {  	[dreg:$0x0] =	wrdreg $0x60  }
0xae: {  	[dreg:$0x2] =	wrdreg s24  }
0xaf: {  	[dreg:$0x3] =	wrdreg s2  }
0xb0: {  	[dreg:$0x4] =	wrdreg $0x9  }
0xb1: {  	_ =	task.clear_ibuf [dreg:s7], $0x5FFFF;
	_ =	strace $0x90000046  }
0xb2: {  	s29 =	simm.s32 $0x9;
	_ =	strace $0x80000048  }
0xb3: {  	_ =	swait.ge [sflag:s29], $0x1  }
0xb4: {  	[sflag:s29] =	ssyncadd.s32 $0xFFFFFFFF  }
0xb5: {  	_ =	strace $0x90000048  }
0xb6: {  	_ =	sfence  }
0xb7: {  	s30 =	sld [smem:$0x0];
	_ =	sdelay $0x2  }
0xb8: {  	s31 =	sshll.u32 s1, $0xD;
	s1 =	sshrl.u32 s1, $0x2  }
0xb9: {  	s3 =	sand.u32 $0x4000, s31;
	s1 =	sadd.s32 s1, s30  }
0xba: {  	s0 =	sor.u32 s3, s0;
	s1 =	sshll.u32 s1, $0x11  }
0xbb: {  	s0 =	sor.u32 s1, s0  }
0xbc: {  	s0 =	sadd.s32 $0x8F2B, s0  }
0xbd: {  	[sflag:s0] =	ssyncadd.remote.s32 $0x1  }
0xbe: {  	_ =	sfence.sel $0xFFFF  }
0xbf: {  	[dreg:$0x0] =	wrdreg $0xFFFFFFFF;
	(pc) =	sbr.abs _section_cstart, $3  }
0xc0: {  	[dreg:$0x1] =	wrdreg $0xFFFFFFFF  }
0xc1: {  	_ =	task.clear_ibuf [dreg:s7], $0x2FFFF;
	_ =	strace $0x9FFFFFFF  }
0xc2: {  	(tm) =	ssettm $0x7FFFFFFF  }
0xc3: {  	_ =	shalt  }
tec
execute0_lowered:
.L_overlay_start_1:
0x0: {  	(tag) =	ssettag $0x1  }
0x1: {  	s0 =	rddreg [dreg:$0x0]  }
0x2: {  	s1 =	srdreg.scid;
	s9 =	stileid.u32  }
0x3: {  	s5 =	rddreg [dreg:$0x1];
	s2 =	simm.s32 $0x0;
	s12 =	simm.s32 $0x5  }
0x4: {  	s13 =	simm.s32 $0x80;
	s14 =	simm.s32 $0x400;
	s15 =	simm.s32 $0x2400  }
0x5: {  	s16 =	simm.s32 $0x100;
	s17 =	simm.s32 $0x4400;
	s18 =	simm.s32 $0x180  }
0x6: {  	s19 =	simm.s32 $0x6400;
	s20 =	simm.s32 $0x200;
	s28 =	simm.s32 $0xE400  }
0x7: {  	s29 =	simm.s32 $0x1;
	s30 =	simm.s32 $0x3;
	s31 =	simm.s32 $0x2  }
0x8: {  	s1 =	sand.u32 $0x1, s1;
	s3 =	sshll.u32 s9, $0x1;
	s9 =	smul.u32 $0xC800, s9  }
0x9: {  	s6 =	sor.u32 s1, s3;
	s21 =	ssub.s32 $0x2, s1;
	s1 =	smul.u32 $0x6400, s1  }
0xa: {  	[smem:$0x7FF] =	sst s2;
	s4 =	sadd.s32 $0xF42E00, s0;
	s7 =	smul.u32 $0x6400, s6  }
0xb: {  	_ =	strace $0x80000047;
	s8 =	smul.u32 $0x190000, s6;
	s10 =	sshrl.u32 s21, $0x1  }
0xc: {  	s3 =	sadd.s32 $0xA00, s0;
	s6 =	smul.u32 $0x32000, s6;
	s0 =	ssub.s32 s21, s10  }
0xd: {  	s1 =	sadd.s32 s1, s9;
	s21 =	simm.s32 $0x8400;
	s7 =	sshrl.u32 s7, $0x3  }
0xe: {  	s22 =	sshrl.u32 s8, $0x3;
	s6 =	sadd.s32 s5, s6;
	s24 =	sshll.u32 s1, $0x3  }
0xf: {  	s9 =	sadd.s32 $0x400, s1;
	s1 =	sadd.s32 $0x600, s1;
	s0 =	smax.u32 s0, $0x1  }
0x10: {  	s7 =	sadd.s32 s3, s7;
	[dreg:$0x7] =	wrdreg s6;
	s23 =	sadd.s32 s5, s22  }
0x11: {  	s25 =	sadd.s32 s24, s5;
	s26 =	sshll.u32 s9, $0x3;
	s1 =	sshrl.u32 s1, $0x3  }
0x12: {  	[dreg:$0x9] =	wrdreg s0;
	s22 =	simm.s32 $0x280;
	s24 =	simm.s32 $0x300  }
0x13: {  	s0 =	simm.s32 $0x0;
	[dreg:$0x5] =	wrdreg s7;
	s7 =	sadd.s32 $0x40, s7  }
0x14: {  	s6 =	sadd.s32 $0x31000, s23;
	s5 =	sadd.s32 s26, s5;
	[dreg:$0x6] =	wrdreg s7  }
0x15: {  	s11 =	sadd.s32 s1, s3;
	s23 =	simm.s32 $0xA400;
	[dreg:$0x8] =	wrdreg s6  }
0x16: {  	s26 =	simm.s32 $0x380;
	s6 =	sadd.s32 $0x1000, s25;
	[dreg:$0x4] =	wrdreg s5  }
0x17: {  	s1 =	simm.s32 $0x4;
	s25 =	simm.s32 $0xC400;
	[dreg:$0x3] =	wrdreg s6  }
.LBB2_1:
0x18: {  	s5 =	rddreg [dreg:$0x5]  }
0x19: {  	[tilespmem:s2], [sflag:$0x5] =	stream.linear.gather [hbm4b:s5+s2], $0x200, $0x38;
	[tilespmem:$0x10400] =	vst v63  }
0x1a: {  	_ =	swait.ge [sflag:s12], $0x200  }
0x1b: {  	[sflag:s12] =	ssyncset.done $0x0  }
0x1c: {  	[sflag:s12] =	ssyncadd.s32 $0xFFFFFE00  }
0x1d: {  	[tilespmem:s14], [sflag:$0x1] =	stream.indirect.gather [hbm4b:s4+s13], $0x40, s2, s13, $0xb8;
	[tilespmem:$0x10400] =	vst v63  }
0x1e: {  	_ = 	snop  }
0x1f: {  	[tilespmem:s15], [sflag:$0x1] =	stream.indirect.gather [hbm4b:s4+s13], $0x40, s13, s13, $0xb8;
	[tilespmem:$0x10400] =	vst v63  }
0x20: {  	_ = 	snop  }
0x21: {  	[tilespmem:s17], [sflag:$0x1] =	stream.indirect.gather [hbm4b:s4+s13], $0x40, s16, s13, $0xb8;
	[tilespmem:$0x10400] =	vst v63  }
0x22: {  	_ = 	snop  }
0x23: {  	[tilespmem:s19], [sflag:$0x1] =	stream.indirect.gather [hbm4b:s4+s13], $0x40, s18, s13, $0xb8;
	[tilespmem:$0x10400] =	vst v63  }
0x24: {  	s10 =	rddreg [dreg:$0x6]  }
0x25: {  	[tilespmem:s20], [sflag:$0x5] =	stream.linear.gather [hbm4b:s10+s2], $0x200, $0x38;
	[tilespmem:$0x10400] =	vst v63  }
0x26: {  	_ =	swait.ge [sflag:s12], $0x200  }
0x27: {  	[sflag:s12] =	ssyncset.done $0x0  }
0x28: {  	[sflag:s12] =	ssyncadd.s32 $0xFFFFFE00  }
0x29: {  	[tilespmem:s21], [sflag:$0x2] =	stream.indirect.gather [hbm4b:s4+s13], $0x40, s20, s13, $0xb8;
	[tilespmem:$0x10400] =	vst v63  }
0x2a: {  	_ = 	snop  }
0x2b: {  	[tilespmem:s23], [sflag:$0x2] =	stream.indirect.gather [hbm4b:s4+s13], $0x40, s22, s13, $0xb8;
	[tilespmem:$0x10400] =	vst v63  }
0x2c: {  	_ = 	snop  }
0x2d: {  	[tilespmem:s25], [sflag:$0x2] =	stream.indirect.gather [hbm4b:s4+s13], $0x40, s24, s13, $0xb8;
	[tilespmem:$0x10400] =	vst v63  }
0x2e: {  	_ = 	snop  }
0x2f: {  	[tilespmem:s28], [sflag:$0x2] =	stream.indirect.gather [hbm4b:s4+s13], $0x40, s26, s13, $0xb8;
	[tilespmem:$0x10400] =	vst v63  }
0x30: {  	_ =	swait.ge [sflag:s29], $0x2000  }
0x31: {  	[sflag:s29] =	ssyncset.done $0x0  }
0x32: {  	[sflag:s29] =	ssyncadd.s32 $0xFFFFE000  }
0x33: {  	_ =	swait.ge [sflag:s29], $0x2000  }
0x34: {  	[sflag:s29] =	ssyncset.done $0x0  }
0x35: {  	[sflag:s29] =	ssyncadd.s32 $0xFFFFE000  }
0x36: {  	_ =	swait.ge [sflag:s29], $0x2000  }
0x37: {  	[sflag:s29] =	ssyncset.done $0x0  }
0x38: {  	[sflag:s29] =	ssyncadd.s32 $0xFFFFE000  }
0x39: {  	_ =	swait.ge [sflag:s29], $0x2000  }
0x3a: {  	[sflag:s29] =	ssyncset.done $0x0  }
0x3b: {  	s6 =	rddreg [dreg:$0x7];
	[sflag:s29] =	ssyncadd.s32 $0xFFFFE000  }
0x3c: {  	[hbm4b:s6+s2] =	stream.linear.scatter [tilespmem:s14], [sflag:$0x3], $0x8000, $0x38;
	[tilespmem:$0x10400] =	vst v63  }
0x3d: {  	_ =	swait.ge [sflag:s30], $0x8000  }
0x3e: {  	s7 =	sshrl.u32 s9, $0x3;
	[sflag:s30] =	ssyncset.done $0x0  }
0x3f: {  	s5 =	sadd.s32 s3, s7;
	[sflag:s30] =	ssyncadd.s32 $0xFFFF8000  }
0x40: {  	[tilespmem:s2], [sflag:$0x5] =	stream.linear.gather [hbm4b:s5+s2], $0x200, $0x38;
	[tilespmem:$0x10400] =	vst v63  }
0x41: {  	_ =	swait.ge [sflag:s12], $0x200  }
0x42: {  	[sflag:s12] =	ssyncset.done $0x0  }
0x43: {  	[sflag:s12] =	ssyncadd.s32 $0xFFFFFE00  }
0x44: {  	[tilespmem:s14], [sflag:$0x1] =	stream.indirect.gather [hbm4b:s4+s13], $0x40, s2, s13, $0xb8;
	[tilespmem:$0x10400] =	vst v63  }
0x45: {  	_ = 	snop  }
0x46: {  	[tilespmem:s15], [sflag:$0x1] =	stream.indirect.gather [hbm4b:s4+s13], $0x40, s13, s13, $0xb8;
	[tilespmem:$0x10400] =	vst v63  }
0x47: {  	_ = 	snop  }
0x48: {  	[tilespmem:s17], [sflag:$0x1] =	stream.indirect.gather [hbm4b:s4+s13], $0x40, s16, s13, $0xb8;
	[tilespmem:$0x10400] =	vst v63  }
0x49: {  	_ = 	snop  }
0x4a: {  	[tilespmem:s19], [sflag:$0x1] =	stream.indirect.gather [hbm4b:s4+s13], $0x40, s18, s13, $0xb8;
	[tilespmem:$0x10400] =	vst v63  }
0x4b: {  	_ =	swait.ge [sflag:s31], $0x2000  }
0x4c: {  	[sflag:s31] =	ssyncset.done $0x0  }
0x4d: {  	[sflag:s31] =	ssyncadd.s32 $0xFFFFE000  }
0x4e: {  	_ =	swait.ge [sflag:s31], $0x2000  }
0x4f: {  	[sflag:s31] =	ssyncset.done $0x0  }
0x50: {  	[sflag:s31] =	ssyncadd.s32 $0xFFFFE000  }
0x51: {  	_ =	swait.ge [sflag:s31], $0x2000  }
0x52: {  	[sflag:s31] =	ssyncset.done $0x0  }
0x53: {  	[sflag:s31] =	ssyncadd.s32 $0xFFFFE000  }
0x54: {  	_ =	swait.ge [sflag:s31], $0x2000  }
0x55: {  	s8 =	rddreg [dreg:$0x3];
	[sflag:s31] =	ssyncset.done $0x0  }
0x56: {  	[sflag:s31] =	ssyncadd.s32 $0xFFFFE000;
	s5 =	sadd.s32 $0x0, s8  }
0x57: {  	[hbm4b:s5+s2] =	stream.linear.scatter [tilespmem:s21], [sflag:$0x4], $0x8000, $0x38;
	[tilespmem:$0x10400] =	vst v63  }
0x58: {  	_ =	swait.ge [sflag:s1], $0x8000  }
0x59: {  	[sflag:s1] =	ssyncset.done $0x0  }
0x5a: {  	[sflag:s1] =	ssyncadd.s32 $0xFFFF8000  }
0x5b: {  	[tilespmem:s20], [sflag:$0x5] =	stream.linear.gather [hbm4b:s11+s2], $0x200, $0x38;
	[tilespmem:$0x10400] =	vst v63  }
0x5c: {  	_ =	swait.ge [sflag:s12], $0x200  }
0x5d: {  	[sflag:s12] =	ssyncset.done $0x0  }
0x5e: {  	[sflag:s12] =	ssyncadd.s32 $0xFFFFFE00  }
0x5f: {  	[tilespmem:s21], [sflag:$0x2] =	stream.indirect.gather [hbm4b:s4+s13], $0x40, s20, s13, $0xb8;
	[tilespmem:$0x10400] =	vst v63  }
0x60: {  	_ = 	snop  }
0x61: {  	[tilespmem:s23], [sflag:$0x2] =	stream.indirect.gather [hbm4b:s4+s13], $0x40, s22, s13, $0xb8;
	[tilespmem:$0x10400] =	vst v63  }
0x62: {  	_ = 	snop  }
0x63: {  	[tilespmem:s25], [sflag:$0x2] =	stream.indirect.gather [hbm4b:s4+s13], $0x40, s24, s13, $0xb8;
	[tilespmem:$0x10400] =	vst v63  }
0x64: {  	_ = 	snop  }
0x65: {  	[tilespmem:s28], [sflag:$0x2] =	stream.indirect.gather [hbm4b:s4+s13], $0x40, s26, s13, $0xb8;
	[tilespmem:$0x10400] =	vst v63  }
0x66: {  	_ =	swait.ge [sflag:s29], $0x2000  }
0x67: {  	[sflag:s29] =	ssyncset.done $0x0  }
0x68: {  	[sflag:s29] =	ssyncadd.s32 $0xFFFFE000  }
0x69: {  	_ =	swait.ge [sflag:s29], $0x2000  }
0x6a: {  	[sflag:s29] =	ssyncset.done $0x0  }
0x6b: {  	[sflag:s29] =	ssyncadd.s32 $0xFFFFE000  }
0x6c: {  	_ =	swait.ge [sflag:s29], $0x2000  }
0x6d: {  	[sflag:s29] =	ssyncset.done $0x0  }
0x6e: {  	[sflag:s29] =	ssyncadd.s32 $0xFFFFE000  }
0x6f: {  	s7 =	sadd.s32 $0x80, s11;
	_ =	swait.ge [sflag:s29], $0x2000  }
0x70: {  	s6 =	simm.s32 $0x2000;
	s10 =	rddreg [dreg:$0x4];
	[sflag:s29] =	ssyncset.done $0x0  }
0x71: {  	s8 =	sadd.s32 $0x400, s9;
	[sflag:s29] =	ssyncadd.s32 $0xFFFFE000;
	s5 =	sadd.s32 $0x0, s10  }
.LBB2_2:
0x72: {  	[hbm4b:s5+s2] =	stream.linear.scatter [tilespmem:s14], [sflag:$0x3], $0x8000, $0x38;
	[tilespmem:$0x10400] =	vst v63  }
0x73: {  	_ =	swait.ge [sflag:s30], $0x8000  }
0x74: {  	s10 =	sshrl.u32 s8, $0x3;
	[sflag:s30] =	ssyncset.done $0x0  }
0x75: {  	s10 =	sadd.s32 s3, s10;
	[sflag:s30] =	ssyncadd.s32 $0xFFFF8000  }
0x76: {  	[tilespmem:s2], [sflag:$0x5] =	stream.linear.gather [hbm4b:s10+s2], $0x200, $0x38;
	[tilespmem:$0x10400] =	vst v63  }
0x77: {  	_ =	swait.ge [sflag:s12], $0x200  }
0x78: {  	[sflag:s12] =	ssyncset.done $0x0  }
0x79: {  	[sflag:s12] =	ssyncadd.s32 $0xFFFFFE00  }
0x7a: {  	[tilespmem:s14], [sflag:$0x1] =	stream.indirect.gather [hbm4b:s4+s13], $0x40, s2, s13, $0xb8;
	[tilespmem:$0x10400] =	vst v63  }
0x7b: {  	_ = 	snop  }
0x7c: {  	[tilespmem:s15], [sflag:$0x1] =	stream.indirect.gather [hbm4b:s4+s13], $0x40, s13, s13, $0xb8;
	[tilespmem:$0x10400] =	vst v63  }
0x7d: {  	_ = 	snop  }
0x7e: {  	[tilespmem:s17], [sflag:$0x1] =	stream.indirect.gather [hbm4b:s4+s13], $0x40, s16, s13, $0xb8;
	[tilespmem:$0x10400] =	vst v63  }
0x7f: {  	_ = 	snop  }
0x80: {  	[tilespmem:s19], [sflag:$0x1] =	stream.indirect.gather [hbm4b:s4+s13], $0x40, s18, s13, $0xb8;
	[tilespmem:$0x10400] =	vst v63  }
0x81: {  	_ =	swait.ge [sflag:s31], $0x2000  }
0x82: {  	[sflag:s31] =	ssyncset.done $0x0  }
0x83: {  	[sflag:s31] =	ssyncadd.s32 $0xFFFFE000  }
0x84: {  	_ =	swait.ge [sflag:s31], $0x2000  }
0x85: {  	[sflag:s31] =	ssyncset.done $0x0  }
0x86: {  	[sflag:s31] =	ssyncadd.s32 $0xFFFFE000  }
0x87: {  	_ =	swait.ge [sflag:s31], $0x2000  }
0x88: {  	[sflag:s31] =	ssyncset.done $0x0  }
0x89: {  	[sflag:s31] =	ssyncadd.s32 $0xFFFFE000  }
0x8a: {  	_ =	swait.ge [sflag:s31], $0x2000  }
0x8b: {  	s5 =	smov.u32 s6;
	s10 =	rddreg [dreg:$0x3];
	[sflag:s31] =	ssyncset.done $0x0  }
0x8c: {  	[sflag:s31] =	ssyncadd.s32 $0xFFFFE000;
	s10 =	sadd.s32 s5, s10  }
0x8d: {  	[hbm4b:s10+s2] =	stream.linear.scatter [tilespmem:s21], [sflag:$0x4], $0x8000, $0x38;
	[tilespmem:$0x10400] =	vst v63  }
0x8e: {  	_ =	swait.ge [sflag:s1], $0x8000  }
0x8f: {  	[sflag:s1] =	ssyncset.done $0x0  }
0x90: {  	[sflag:s1] =	ssyncadd.s32 $0xFFFF8000  }
0x91: {  	[tilespmem:s20], [sflag:$0x5] =	stream.linear.gather [hbm4b:s7+s2], $0x200, $0x38;
	[tilespmem:$0x10400] =	vst v63  }
0x92: {  	_ =	swait.ge [sflag:s12], $0x200  }
0x93: {  	[sflag:s12] =	ssyncset.done $0x0  }
0x94: {  	[sflag:s12] =	ssyncadd.s32 $0xFFFFFE00  }
0x95: {  	[tilespmem:s21], [sflag:$0x2] =	stream.indirect.gather [hbm4b:s4+s13], $0x40, s20, s13, $0xb8;
	[tilespmem:$0x10400] =	vst v63  }
0x96: {  	_ = 	snop  }
0x97: {  	[tilespmem:s23], [sflag:$0x2] =	stream.indirect.gather [hbm4b:s4+s13], $0x40, s22, s13, $0xb8;
	[tilespmem:$0x10400] =	vst v63  }
0x98: {  	_ = 	snop  }
0x99: {  	[tilespmem:s25], [sflag:$0x2] =	stream.indirect.gather [hbm4b:s4+s13], $0x40, s24, s13, $0xb8;
	[tilespmem:$0x10400] =	vst v63  }
0x9a: {  	_ = 	snop  }
0x9b: {  	[tilespmem:s28], [sflag:$0x2] =	stream.indirect.gather [hbm4b:s4+s13], $0x40, s26, s13, $0xb8;
	[tilespmem:$0x10400] =	vst v63  }
0x9c: {  	_ =	swait.ge [sflag:s29], $0x2000  }
0x9d: {  	[sflag:s29] =	ssyncset.done $0x0  }
0x9e: {  	[sflag:s29] =	ssyncadd.s32 $0xFFFFE000  }
0x9f: {  	_ =	swait.ge [sflag:s29], $0x2000  }
0xa0: {  	[sflag:s29] =	ssyncset.done $0x0  }
0xa1: {  	[sflag:s29] =	ssyncadd.s32 $0xFFFFE000  }
0xa2: {  	p0 =	sne.s32 s6, $0x2E000;
	_ =	swait.ge [sflag:s29], $0x2000  }
.Ltmp0:
0xa3: {  	[sflag:s29] =	ssyncset.done $0x0;
	(pc) =	sbr.rel @p0 .LBB2_2-.Ltmp0, $4  }
0xa4: {  	[sflag:s29] =	ssyncadd.s32 $0xFFFFE000  }
0xa5: {  	s6 =	sadd.s32 $0x2000, s6;
	_ =	swait.ge [sflag:s29], $0x2000  }
0xa6: {  	s8 =	sadd.s32 $0x400, s8;
	[sflag:s29] =	ssyncset.done $0x0;
	s10 =	rddreg [dreg:$0x4]  }
0xa7: {  	s7 =	sadd.s32 $0x80, s7;
	[sflag:s29] =	ssyncadd.s32 $0xFFFFE000;
	s5 =	sadd.s32 s5, s10  }
0xa8: {  	[hbm4b:s5+s2] =	stream.linear.scatter [tilespmem:s14], [sflag:$0x3], $0x8000, $0x38;
	[tilespmem:$0x10400] =	vst v63  }
0xa9: {  	_ =	swait.ge [sflag:s31], $0x2000  }
0xaa: {  	[sflag:s31] =	ssyncset.done $0x0  }
0xab: {  	[sflag:s31] =	ssyncadd.s32 $0xFFFFE000  }
0xac: {  	_ =	swait.ge [sflag:s31], $0x2000  }
0xad: {  	[sflag:s31] =	ssyncset.done $0x0  }
0xae: {  	[sflag:s31] =	ssyncadd.s32 $0xFFFFE000  }
0xaf: {  	_ =	swait.ge [sflag:s31], $0x2000  }
0xb0: {  	[sflag:s31] =	ssyncset.done $0x0  }
0xb1: {  	[sflag:s31] =	ssyncadd.s32 $0xFFFFE000  }
0xb2: {  	_ =	swait.ge [sflag:s31], $0x2000  }
0xb3: {  	[sflag:s31] =	ssyncset.done $0x0  }
0xb4: {  	s8 =	rddreg [dreg:$0x8];
	[sflag:s31] =	ssyncadd.s32 $0xFFFFE000  }
0xb5: {  	[hbm4b:s8+s2] =	stream.linear.scatter [tilespmem:s21], [sflag:$0x4], $0x8000, $0x38;
	[tilespmem:$0x10400] =	vst v63  }
0xb6: {  	_ =	swait.ge [sflag:s30], $0x8000  }
0xb7: {  	[sflag:s30] =	ssyncset.done $0x0  }
0xb8: {  	[sflag:s30] =	ssyncadd.s32 $0xFFFF8000  }
0xb9: {  	_ =	swait.ge [sflag:s1], $0x8000  }
0xba: {  	s0 =	sadd.s32 $0x1, s0;
	s10 =	rddreg [dreg:$0x9]  }
0xbb: {  	p0 =	sne.s32 s0, s10  }
.Ltmp1:
0xbc: {  	_ = 	snop;
	(pc) =	sbr.rel @p0 .LBB2_1-.Ltmp1, $3  }
0xbd: {  	_ =	sdelay $0x1  }
0xbe: {  	[sflag:s1] =	ssyncset.done $0x0  }
0xbf: {  	[sflag:s1] =	ssyncadd.s32 $0xFFFF8000  }
0xc0: {  	_ =	sfence.sel $0x180000  }
0xc1: {  	[bflag:$0x0] =	sbarrier.arrive $0xFFFF  }
0xc2: {  	_ =	strace $0x90000047  }
0xc3: {  	s0 =	stileid.u32;
	[bflag:$0x2] =	sbarrier.arrive $0xFFFF  }
0xc4: {  	p0 =	sne.s32 s0, $0x0;
	s0 =	rddreg [dreg:$0x2]  }
0xc5: {  	s0 =	sadd.s32 @!p0 $0x100000, s0  }
0xc6: {  	[sflag:s0] =	ssyncadd.tile.s32 @!p0 $0x1;
	_ =	shalt  }
.Lfunc_end2:
_tile_overlayer_lowered:
.L_overlay_start_2:
0xc7: {  	(tag) =	ssettag $0x2  }
0xc8: {  	s0 =	rddreg [dreg:$0x0];
	s2 =	stileid.u32  }
0xc9: {  	s1 =	rddreg [dreg:$0x1];
	p0 =	sne.s32 s2, $0x0  }
0xca: {  	s3 =	rddreg [dreg:$0x2];
	[bflag:$0x3] =	sbarrier.arrive $0xFFFF;
	s2 =	simm.s32 @!p0 $0x1C05  }
0xcb: {  	[timem:s3], [sflag:s2] =	dma.local @!p0 [hbm:s0], s1  }
0xcc: {  	s0 =	simm.s32 @!p0 $0x5  }
0xcd: {  	_ =	swait.ge @!p0 [sflag:s0], s1  }
0xce: {  	s1 =	ssub.s32 @!p0 $0x0, s1;
	[sflag:s0] =	ssyncset.done @!p0 $0x0  }
0xcf: {  	[sflag:s0] =	ssyncadd.s32 @!p0 s1  }
0xd0: {  	[bflag:$0x3] =	sbarrier.arrive $0xFFFF  }
0xd1: {  	_ =	shalt  }

// kernel: sparse-core-data-format-call.cloned.1.call-start
scs
called_computation_lowered:
.L_overlay_start_0:
0x0: {  	s2 =	sld [smem:$0x3FD9]  }
0x1: {  	s3 =	sld [smem:$0x3FFE];
	_ =	sdelay $0x1  }
0x2: {  	s1 =	srdreg.scid  }
0x3: {  	s0 =	sand.u32 $0x1, s1  }
0x4: {  	s18 =	sshll.u32 s0, $0xA;
	s2 =	sadd.s32 s3, s2  }
0x5: {  	s2 =	sadd.s32 s2, s18  }
0x6: {  	[smem:$0x3FC6] =	sst s2  }
0x7: {  	_ = 	snop  }
0x8: {  	s2 =	sld [smem:$0x3FD0];
	(tm) =	ssettm $0x1  }
0x9: {  	s19 =	sld [smem:$0x3FFB];
	_ =	sdelay $0x3  }
0xa: {  	_ =	strace s19  }
0xb: {  	s3 =	sld [smem:$0x3FFC];
	_ =	sdelay $0x3  }
0xc: {  	_ =	strace s3  }
0xd: {  	s3 =	sld [smem:$0x3FFD];
	_ =	sdelay $0x3  }
0xe: {  	_ =	strace s3  }
0xf: {  	_ =	strace $0x8FFFFFFF  }
0x10: {  	s20 =	sld [smem:$0x3FDB];
	_ =	sdelay $0x1  }
0x11: {  	s4 =	simm.s32 $_scs_section_size  }
0x12: {  	s5 =	simm.s32 $_size__tile_overlayer_lowered;
	s6 =	simm.s32 $_tile_overlayer_lowered  }
0x13: {  	s23 =	simm.s32 $0x1BFF;
	s22 =	sshll.u32 s6, $0x1;
	s3 =	sadd.s32 s4, s20  }
0x14: {  	s7 =	simm.s32 $0x0;
	s21 =	sshll.u32 s5, $0x1;
	s5 =	sadd.s32 s22, s3  }
0x15: {  	[timem:s7], [sflag:s23] =	dma.local [hbm:s5], s21  }
0x16: {  	_ =	swait.ge [sflag:s23], s21  }
0x17: {  	s4 =	ssub.s32 $0x0, s21;
	[sflag:s23] =	ssyncset.done $0x0  }
0x18: {  	[sflag:s23] =	ssyncadd.s32 s4;
	_ =	sdelay $0x1  }
0x19: {  	s24 =	simm.s32 $0x1B8B  }
0x1a: {  	_ =	swait.ge [sflag:s24], $0x1  }
0x1b: {  	[sflag:s24] =	ssyncset.done $0x0  }
0x1c: {  	s26 =	simm.s32 $0x1B8E;
	s25 =	sld [smem:$0x3FFE];
	[sflag:s24] =	ssyncadd.s32 $0xFFFFFFFF  }
0x1d: {  	s27 =	simm.s32 $execute0_lowered;
	[smem:$0x3FD2] =	sst s26  }
0x1e: {  	s5 =	sshll.u32 s27, $0x1;
	_ =	strace $0x80000049;
	[dreg:$0x1] =	wrdreg $0xFFFFFFFF  }
0x1f: {  	s28 =	simm.s32 $_size_execute0_lowered;
	s3 =	sadd.s32 s3, s5;
	[dreg:$0x0] =	wrdreg $0x0  }
0x20: {  	s5 =	sshll.u32 s28, $0x1;
	[dreg:$0x2] =	wrdreg s3  }
0x21: {  	[dreg:$0x3] =	wrdreg s5  }
0x22: {  	[dreg:$0x4] =	wrdreg $0xC0  }
0x23: {  	_ =	task [dreg:s7], $0x5FFFF  }
0x24: {  	[dreg:$0x1] =	wrdreg $0xFFFFFFFF  }
0x25: {  	[dreg:$0x0] =	wrdreg $0x60  }
0x26: {  	[dreg:$0x2] =	wrdreg s25  }
0x27: {  	[dreg:$0x3] =	wrdreg s2  }
0x28: {  	[dreg:$0x4] =	wrdreg $0x9  }
0x29: {  	_ =	task.clear_ibuf [dreg:s7], $0x5FFFF;
	_ =	strace $0x90000049  }
0x2a: {  	s29 =	simm.s32 $0x9;
	_ =	strace $0x8000004B  }
0x2b: {  	_ =	swait.ge [sflag:s29], $0x1  }
0x2c: {  	[sflag:s29] =	ssyncadd.s32 $0xFFFFFFFF  }
0x2d: {  	_ =	strace $0x9000004B  }
0x2e: {  	_ =	sfence  }
0x2f: {  	s30 =	sld [smem:$0x0];
	_ =	sdelay $0x2  }
0x30: {  	s31 =	sshll.u32 s1, $0xD;
	s1 =	sshrl.u32 s1, $0x2  }
0x31: {  	s3 =	sand.u32 $0x4000, s31;
	s1 =	sadd.s32 s1, s30  }
0x32: {  	s0 =	sor.u32 s3, s0;
	s1 =	sshll.u32 s1, $0x11  }
0x33: {  	s0 =	sor.u32 s1, s0  }
0x34: {  	s0 =	sadd.s32 $0x8F2B, s0  }
0x35: {  	[sflag:s0] =	ssyncadd.remote.s32 $0x1  }
0x36: {  	_ =	sfence.sel $0xFFFF  }
0x37: {  	[dreg:$0x0] =	wrdreg $0xFFFFFFFF;
	(pc) =	sbr.abs _section_cstart, $3  }
0x38: {  	[dreg:$0x1] =	wrdreg $0xFFFFFFFF  }
0x39: {  	_ =	task.clear_ibuf [dreg:s7], $0x2FFFF;
	_ =	strace $0x9FFFFFFF  }
0x3a: {  	(tm) =	ssettm $0x7FFFFFFF  }
0x3b: {  	_ =	shalt  }
tec
execute0_lowered:
.L_overlay_start_1:
0x0: {  	(tag) =	ssettag $0x1  }
0x1: {  	s0 =	srdreg.scid  }
0x2: {  	s1 =	sshll.u32 s0, $0x4  }
0x3: {  	s5 =	rddreg [dreg:$0x0];
	s0 =	stileid.u32;
	s1 =	sand.u32 $0x10, s1  }
0x4: {  	s3 =	rddreg [dreg:$0x1];
	s31 =	simm.s32 $0x2;
	s4 =	sor.u32 s0, s1  }
0x5: {  	s13 =	simm.s32 $0x0;
	s9 =	simm.s32 $0x400;
	s2 =	sshll.u32 s4, $0x7  }
0x6: {  	s10 =	simm.s32 $0x8000;
	s14 =	simm.s32 $0x0;
	s6 =	ssub.s32 $0x1000, s2  }
0x7: {  	s1 =	rddreg [dreg:$0x2];
	_ =	strace $0x8000004A;
	s7 =	sand.u32 $0xF80, s6  }
0x8: {  	s4 =	sshll.u32 s4, $0xB;
	p0 =	sne.s32 s7, $0x0;
	s7 =	simm.s32 $0x1  }
.Ltmp0:
0x9: {  	s6 =	sshrl.u32 s6, $0xC;
	s7 =	simm.s32 @!p0 $0x0;
	(pc) =	sbr.rel .LBB1_1-.Ltmp0, $4  }
0xa: {  	s8 =	sadd.s32 s4, s5;
	s4 =	simm.s32 $0x1;
	s30 =	sadd.s32 s7, s6  }
0xb: {  	s11 =	simm.s32 $0x0;
	[sflag:s4] =	ssyncpa.u1 $0x0;
	s5 =	smul.u32 $0x64, s30  }
0xc: {  	s12 =	simm.s32 $0x0;
	[sflag:s31] =	ssyncpa.u1 $0x0;
	p0 =	por $0x0, $0x0  }
0xd: {  	s6 =	sadd.s32 $0xA00, s8;
	s7 =	sadd.s32 $0x10A00, s8;
	s8 =	sor.u32 $0x1, s5  }
.LBB1_7:
0xe: {  	s15 =	sadd.s32 $0x2, s11  }
0xf: {  	p2 =	sgt.s32 s15, $0xC7  }
0x10: {  	s15 =	simm.s32 @p2 $0x0;
	p2 =	sne.s32 s12, s8  }
.Ltmp1:
0x11: {  	p1 =	slt.u32 s12, $0x2;
	(pc) =	sbr.rel @!p2 .LBB1_8-.Ltmp1, $4  }
0x12: {  	s13 =	simm.s32 @!p1 $0x2  }
0x13: {  	s16 =	sadd.s32 $0x1, s12;
	s14 =	smov.u32 s11;
	_ =	swait.ge @!p1 [sflag:s13], $0x4000  }
0x14: {  	p0 =	por !p0, !p0;
	s12 =	smov.u32 s16;
	[sflag:s13] =	ssyncset.done @!p1 $0x0  }
0x15: {  	s11 =	smov.u32 s15;
	[sflag:s13] =	ssyncadd.s32 @!p1 $0xFFFFC000;
	s13 =	smov.u32 s2  }
.LBB1_1:
0x16: {  	p1 =	sge.u32 s12, s5  }
0x17: {  	s15 =	sxor.u32 @!p1 $0xFFFFFFFF, s12  }
0x18: {  	s16 =	sshll.u32 @!p1 s11, $0x10;
	s18 =	simm.s32 @!p1 $0x40;
	s15 =	sshll.u32 @!p1 s15, $0xE  }
0x19: {  	s19 =	simm.s32 @!p1 $0x80;
	s17 =	sadd.s32 @!p1 s16, s6;
	s15 =	sand.u32 @!p1 $0x4000, s15  }
0x1a: {  	[tilespmem:s15], [sflag:$0x1] =	stream.strided.gather @!p1 [hbm4b:s17+s18], $0x2000, s19, s18, $0x38;
	[tilespmem:$0x10100] =	vst v63  }
0x1b: {  	s31 =	sadd.s32 $0xFFFFFFFF, s12;
	s16 =	sadd.s32 @!p1 s16, s7;
	s15 =	sor.u32 @!p1 $0x2000, s15  }
0x1c: {  	[tilespmem:s15], [sflag:$0x1] =	stream.strided.gather @!p1 [hbm4b:s16+s18], $0x2000, s19, s18, $0x38;
	[tilespmem:$0x10100] =	vst v63  }
0x1d: {  	p1 =	sge.u32 s31, s5  }
.Ltmp2:
0x1e: {  	_ = 	snop;
	(pc) =	sbr.rel @p1 .LBB1_7-.Ltmp2, $1  }
0x1f: {  	_ =	sdelay $0x3  }
0x20: {  	s15 =	simm.s32 $0x1;
	s17 =	sand.u32 $0x1, s12  }
0x21: {  	_ =	swait.ge [sflag:s4], $0x4000;
	s15 =	simm.s32 @!p0 $0x0;
	s17 =	smul.u32 $0x10200, s17  }
0x22: {  	p2 =	por $0x1, $0x1;
	[sflag:s4] =	ssyncset.done $0x0;
	s16 =	smul.u32 $0x10200, s15  }
0x23: {  	s18 =	sshll.u32 s15, $0x10;
	[sflag:s4] =	ssyncadd.s32 $0xFFFFC000;
	s30 =	sshrl.u32 s17, $0x2  }
0x24: {  	s31 =	sshrl.u32 s18, $0x2;
	s18 =	simm.s32 $0x0;
	s16 =	sshrl.u32 s16, $0x2  }
0x25: {  	s15 =	sor.u32 $0x8000, s30;
	s17 =	sadd.s32 $0x20, s31;
	s16 =	sor.u32 $0x8000, s16  }
.LBB1_3:
0x26: {  	s19 =	sshll.u32 s18, $0xD  }
0x27: {  	s19 =	sand.u32 $0x3FFFE000, s19  }
0x28: {  	s21 =	sadd.s32 s19, s17  }
0x29: {  	s31 =	smul.u32 $0x8100, s18;
	v3 =	vld [tilespmem:s21+$0x10]  }
0x2a: {  	v1 =	vld [tilespmem:s21+$0xFFFFFFF0]  }
0x2b: {  	s18 =	sshra.s32 s31, $0x2;
	v0 =	vld [tilespmem:s21+$0x0]  }
0x2c: {  	s18 =	sadd.s32 s18, s16;
	v2 =	vld [tilespmem:s21+$0xFFFFFFE0]  }
0x2d: {  	s19 =	sadd.s32 $0x0, s18  }
0x2e: {  	p1 =	por p2, p2;
	s20 =	simm.s32 $0x4;
	s21 =	sadd.s32 $0x40, s21;
	[tilespmem:s19+$0x1830 ss:$0x81] =	vst.msk $0xffff, v3  }
.LBB1_4:
0x2f: {  	v3 =	vld [tilespmem:s21+$0x10];
	p2 =	sne.s32 s20, $0x1FC;
	[tilespmem:s19+$0x810 ss:$0x81] =	vst.msk $0xffff, v1;
	s22 =	smov.u32 s20;
	s20 =	sadd.s32 $0x4, s20  }
.Ltmp3:
0x30: {  	v1 =	vld [tilespmem:s21+$0xFFFFFFF0];
	[tilespmem:s19+$0x1020 ss:$0x81] =	vst.msk $0xffff, v0;
	(pc) =	sbr.rel @p2 .LBB1_4-.Ltmp3, $4  }
0x31: {  	v0 =	vld [tilespmem:s21+$0x0];
	[tilespmem:s19+$0x0 ss:$0x81] =	vst.msk $0xffff, v2  }
0x32: {  	s19 =	sshra.s32 s22, $0x2;
	v2 =	vld [tilespmem:s21+$0xFFFFFFE0]  }
0x33: {  	s19 =	sadd.s32 s19, s18  }
0x34: {  	s21 =	sadd.s32 $0x40, s21;
	[tilespmem:s19+$0x1830 ss:$0x81] =	vst.msk $0xffff, v3  }
.Ltmp4:
0x35: {  	(pc) =	sbr.rel @p1 .LBB1_3-.Ltmp4, $4  }
0x36: {  	_ = 	snop  }
0x37: {  	[tilespmem:s19+$0x810 ss:$0x81] =	vst.msk $0xffff, v1  }
0x38: {  	[tilespmem:s19+$0x1020 ss:$0x81] =	vst.msk $0xffff, v0  }
0x39: {  	s18 =	simm.s32 $0x1;
	p2 =	por $0x0, $0x0;
	[tilespmem:s19+$0x0 ss:$0x81] =	vst.msk $0xffff, v2  }
.Ltmp5:
0x3a: {  	(pc) =	sbr.rel .LBB1_7-.Ltmp5, $4  }
0x3b: {  	s14 =	sshll.u32 s14, $0xF  }
0x3c: {  	s14 =	sadd.s32 s3, s14  }
0x3d: {  	s13 =	sadd.s32 s13, s14  }
0x3e: {  	[hbm4b:s13+s9] =	stream.strided.scatter [tilespmem:s15], [sflag:$0x2], $0x4000, s10, s9, $0x20;
	[tilespmem:$0x10100] =	vst v63  }
.LBB1_8:
0x3f: {  	_ =	sfence.sel $0x180000  }
0x40: {  	s2 =	simm.s32 $0x1;
	[bflag:$0x0] =	sbarrier.arrive $0xFFFF  }
0x41: {  	s31 =	simm.s32 $0x2;
	[sflag:s2] =	ssyncpa.u1 $0x1  }
0x42: {  	[sflag:s31] =	ssyncpa.u1 $0x1  }
0x43: {  	p0 =	sne.s32 s0, $0x0;
	_ =	strace $0x9000004A  }
0x44: {  	s0 =	sadd.s32 @!p0 $0x100000, s1;
	[bflag:$0x2] =	sbarrier.arrive $0xFFFF  }
0x45: {  	[sflag:s0] =	ssyncadd.tile.s32 @!p0 $0x1;
	_ =	shalt  }
.Lfunc_end1:
_tile_overlayer_lowered:
.L_overlay_start_2:
0x46: {  	(tag) =	ssettag $0x2  }
0x47: {  	s0 =	rddreg [dreg:$0x0];
	s2 =	stileid.u32  }
0x48: {  	s1 =	rddreg [dreg:$0x1];
	p0 =	sne.s32 s2, $0x0  }
0x49: {  	s3 =	rddreg [dreg:$0x2];
	[bflag:$0x3] =	sbarrier.arrive $0xFFFF;
	s2 =	simm.s32 @!p0 $0x1C01  }
0x4a: {  	[timem:s3], [sflag:s2] =	dma.local @!p0 [hbm:s0], s1  }
0x4b: {  	s0 =	simm.s32 @!p0 $0x1  }
0x4c: {  	_ =	swait.ge @!p0 [sflag:s0], s1  }
0x4d: {  	s1 =	ssub.s32 @!p0 $0x0, s1;
	[sflag:s0] =	ssyncset.done @!p0 $0x0  }
0x4e: {  	[sflag:s0] =	ssyncadd.s32 @!p0 s1  }
0x4f: {  	[bflag:$0x3] =	sbarrier.arrive $0xFFFF  }
0x50: {  	_ =	shalt  }

</sc_bundles>
